<compile_context>
chip_gen: v7x
topology: tpu7x:2x2x1
jax: 0.10.2.dev20260603
libtpu: 0.0.44.dev20260713+nightly
codegen_flags: <defaults>
</compile_context>

<pallas_src>
import dataclasses
import functools

import jax
import jax.numpy as jnp
from jax.experimental import pallas as pl
from jax.experimental.pallas import tpu as pltpu
from jax.experimental.pallas import tpu_sc as plsc

_ROWS = 16384
_C = 2048
_L = 16
_RT = 8


def kernel(z, perm):
    perm32 = perm.astype(jnp.int32)
    mesh = plsc.VectorSubcoreMesh(
        core_axis_name="core", subcore_axis_name="subcore"
    )

    cp = pltpu.CompilerParams()
    if "needs_layout_passes" in pltpu.CompilerParams.__dataclass_fields__:
        cp = dataclasses.replace(cp, needs_layout_passes=False)

    @functools.partial(
        pl.kernel,
        out_type=jax.ShapeDtypeStruct((_ROWS, _C), jnp.float32),
        mesh=mesh,
        compiler_params=cp,
        scratch_types=[
            pltpu.VMEM((_C,), jnp.int32),
            pltpu.SemaphoreType.DMA,
        ],
    )
    def run(z_hbm, perm_hbm, out_hbm, perm_v, sem):
        pltpu.async_copy(perm_hbm, perm_v, sem).wait()

        def tile_body(z_vmem, o_vmem):
            @plsc.parallel_loop(0, _C // _L, unroll=8)
            def _(cb):
                col = perm_v[pl.ds(cb * _L, _L)]
                for r in range(_RT):
                    rowidx = jnp.full((_L,), r, jnp.int32)
                    o_vmem[r, pl.ds(cb * _L, _L)] = plsc.load_gather(
                        z_vmem, [rowidx, col]
                    )

        pltpu.emit_pipeline(
            tile_body,
            grid=(_ROWS // _RT,),
            in_specs=[
                pl.BlockSpec(
                    (_RT, _C),
                    lambda i: (i, 0),
                    pipeline_mode=pl.Buffered(buffer_count=4, use_lookahead=True),
                )
            ],
            out_specs=[pl.BlockSpec((_RT, _C), lambda i: (i, 0))],
            core_axis_name=("core", "subcore"),
            dimension_semantics=(pltpu.PARALLEL,),
        )(z_hbm, out_hbm)

    z_out = run(z, perm32)
    return (z_out, jnp.zeros((), z.dtype))

# --- scband reference (transcript-rebuilt; emitter-appended) ---
"""Pipeline reference for scband-permute-66898410603132 (READ-ONLY COPY).

The authoritative reference and input builder live on the scoring server;
editing this copy changes nothing except your own understanding.
"""

import jax, jax.numpy as jnp
import numpy as np

NUM_CHANNELS = 2048


def setup_inputs(seed: int = 0) -> dict:
    key = jax.random.key(seed)
    kz, kp = jax.random.split(key)
    z = jax.random.normal(kz, (16384, NUM_CHANNELS), dtype=jnp.float32)
    # buffer: random permutation of channels (torch.randperm equivalent)
    perm = jax.random.permutation(kp, jnp.arange(NUM_CHANNELS, dtype=jnp.int64))
    return {"z": z, "perm": perm}


def reference(z, perm):
    # mode == 'shuffle': gather channels along last dim
    z_out = jnp.take(z, perm, axis=-1)
    log_det = jnp.zeros((), dtype=z.dtype)
    return (z_out, log_det)

if __name__ == "__main__":
    import jax
    _d = setup_inputs()
    print(jax.jit(kernel)(*tuple(_d.values())))

</pallas_src>

<mosaic_0001>
#map = affine_map<(d0, d1) -> (0, 0)>
#map1 = affine_map<(d0, d1) -> (0)>
module attributes {stable_mosaic.version = 14 : i64} {
  func.func @run(%arg0: i32, %arg1: i32, %arg2: memref<16384x2048xf32, #tpu.memory_space<hbm>>, %arg3: memref<2048xi32, #tpu.memory_space<hbm>>, %arg4: memref<16384x2048xf32, #tpu.memory_space<hbm>>, %arg5: memref<2048xi32, #tpu.memory_space<vmem>>, %arg6: memref<!tpu.dma_semaphore, #tpu.memory_space<semaphore_mem>>) attributes {dimension_semantics = [#tpu.dimension_semantics<core_parallel>, #tpu.dimension_semantics<subcore_parallel>], iteration_bounds = array<i64: 2, 16>, scalar_prefetch = 0 : i64, scratch_operands = 2 : i64, tpu.core_type = #tpu.core_type<sc_vector_subcore>, window_params = [{transform_indices = #map}, {transform_indices = #map1}, {transform_indices = #map}]} {
    tpu.enqueue_dma source(%arg3 : memref<2048xi32, #tpu.memory_space<hbm>>) target(%arg5 : memref<2048xi32, #tpu.memory_space<vmem>>) target_semaphore(%arg6 : memref<!tpu.dma_semaphore, #tpu.memory_space<semaphore_mem>>)
    tpu.wait_dma2 semaphore(%arg6 : memref<!tpu.dma_semaphore, #tpu.memory_space<semaphore_mem>>) src(%arg3 : memref<2048xi32, #tpu.memory_space<hbm>>) dst(%arg5 : memref<2048xi32, #tpu.memory_space<vmem>>)
    %mul3A = arith.constant 1 : i32
    %mul3A_0 = arith.muli %arg1, %mul3A : i32
    %add3A = arith.constant 0 : i32
    %add3A_1 = arith.addi %add3A, %mul3A_0 : i32
    %mul3A_2 = arith.constant 16 : i32
    %mul3A_3 = arith.muli %arg0, %mul3A_2 : i32
    %add3A_4 = arith.addi %add3A_1, %mul3A_3 : i32
    %mul3A_5 = arith.constant 64 : i32
    %mul3A_6 = arith.muli %add3A_4, %mul3A_5 : i32
    "tpu.region"() ({
      %run_scoped3A = memref.alloca() : memref<4x8x2048xf32, #tpu.memory_space<vmem>>
      %run_scoped3A_7 = tpu.sem_alloc : memref<4x!tpu.dma_semaphore, #tpu.memory_space<semaphore_mem>>
      %run_scoped3A_8 = memref.alloca() : memref<2x8x2048xf32, #tpu.memory_space<vmem>>
      %run_scoped3A_9 = tpu.sem_alloc : memref<2x!tpu.dma_semaphore, #tpu.memory_space<semaphore_mem>>
      %add3A_10 = arith.constant 0 : i32
      %add3A_11 = arith.addi %add3A_10, %mul3A_6 : i32
      %select_n3A = arith.constant true
      %select_n3A_12 = arith.constant 0 : i32
      %select_n3A_13 = arith.constant -1 : i32
      %select_n3A_14 = arith.select %select_n3A, %select_n3A_13, %select_n3A_12 : i32
      %eq3A = arith.constant -1 : i32
      %eq3A_15 = arith.cmpi eq, %select_n3A_14, %eq3A : i32
      %select_n3A_16 = arith.constant 63 : i32
      %select_n3A_17 = arith.select %eq3A_15, %select_n3A_16, %select_n3A_14 : i32
      %add3A_18 = arith.addi %select_n3A_17, %mul3A_6 : i32
      %select_n3A_19 = arith.constant true
      %select_n3A_20 = arith.constant 0 : i32
      %select_n3A_21 = arith.constant 1 : i32
      %select_n3A_22 = arith.select %select_n3A_19, %select_n3A_21, %select_n3A_20 : i32
      %eq3A_23 = arith.constant 64 : i32
      %eq3A_24 = arith.cmpi eq, %select_n3A_22, %eq3A_23 : i32
      %select_n3A_25 = arith.constant 0 : i32
      %select_n3A_26 = arith.select %eq3A_24, %select_n3A_25, %select_n3A_22 : i32
      %add3A_27 = arith.addi %select_n3A_26, %mul3A_6 : i32
      %add3A_28 = arith.constant 1 : i32
      %add3A_29 = arith.addi %select_n3A_26, %add3A_28 : i32
      %select_n3A_30 = arith.constant true
      %select_n3A_31 = arith.select %select_n3A_30, %add3A_29, %select_n3A_26 : i32
      %eq3A_32 = arith.constant 64 : i32
      %eq3A_33 = arith.cmpi eq, %select_n3A_31, %eq3A_32 : i32
      %select_n3A_34 = arith.constant 0 : i32
      %select_n3A_35 = arith.select %eq3A_33, %select_n3A_34, %select_n3A_31 : i32
      %add3A_36 = arith.addi %select_n3A_35, %mul3A_6 : i32
      %add3A_37 = arith.constant 1 : i32
      %add3A_38 = arith.addi %select_n3A_35, %add3A_37 : i32
      %select_n3A_39 = arith.constant true
      %select_n3A_40 = arith.select %select_n3A_39, %add3A_38, %select_n3A_35 : i32
      %eq3A_41 = arith.constant 64 : i32
      %eq3A_42 = arith.cmpi eq, %select_n3A_40, %eq3A_41 : i32
      %select_n3A_43 = arith.constant 0 : i32
      %select_n3A_44 = arith.select %eq3A_42, %select_n3A_43, %select_n3A_40 : i32
      %add3A_45 = arith.addi %select_n3A_44, %mul3A_6 : i32
      %add3A_46 = arith.constant 1 : i32
      %add3A_47 = arith.addi %select_n3A_44, %add3A_46 : i32
      %select_n3A_48 = arith.constant true
      %select_n3A_49 = arith.select %select_n3A_48, %add3A_47, %select_n3A_44 : i32
      %eq3A_50 = arith.constant 64 : i32
      %eq3A_51 = arith.cmpi eq, %select_n3A_49, %eq3A_50 : i32
      %select_n3A_52 = arith.constant 0 : i32
      %select_n3A_53 = arith.select %eq3A_51, %select_n3A_52, %select_n3A_49 : i32
      %add3A_54 = arith.addi %select_n3A_53, %mul3A_6 : i32
      "tpu.trace_start"() <{level = 10 : i32, message = "ep_initialize_0"}> : () -> ()
      %add3A_55 = arith.constant 0 : i32
      %add3A_56 = arith.addi %add3A_55, %mul3A_6 : i32
      %rem3A = arith.constant 0 : i32
      %rem3A_57 = arith.constant 4 : i32
      %rem3A_58 = arith.remui %rem3A, %rem3A_57 : i32
      %mul3A_59 = arith.constant 8 : i32
      %mul3A_60 = arith.muli %mul3A_59, %add3A_56 : i32
      %dma_start3A = arith.constant 0 : i32
      %dma_start3A_61 = arith.constant 0 : i32
      %dma_start3A_62 = tpu.memref_slice %run_scoped3A[%rem3A_58, %dma_start3A, %dma_start3A_61] : memref<4x8x2048xf32, #tpu.memory_space<vmem>> -> memref<1x8x2048xf32, #tpu.memory_space<vmem>>
      %dma_start3A_63 = tpu.memref_squeeze %dma_start3A_62 : memref<1x8x2048xf32, #tpu.memory_space<vmem>> -> memref<8x2048xf32, #tpu.memory_space<vmem>>
      %dma_start3A_64 = arith.constant 0 : i32
      %dma_start3A_65 = tpu.memref_slice %arg2[%mul3A_60, %dma_start3A_64] : memref<16384x2048xf32, #tpu.memory_space<hbm>> -> memref<8x2048xf32, #tpu.memory_space<hbm>>
      %dma_start3A_66 = tpu.memref_slice %run_scoped3A_7[%rem3A_58] : memref<4x!tpu.dma_semaphore, #tpu.memory_space<semaphore_mem>> -> memref<1x!tpu.dma_semaphore, #tpu.memory_space<semaphore_mem>>
      %dma_start3A_67 = tpu.memref_squeeze %dma_start3A_66 : memref<1x!tpu.dma_semaphore, #tpu.memory_space<semaphore_mem>> -> memref<!tpu.dma_semaphore, #tpu.memory_space<semaphore_mem>>
      %dma_start3A_68 = arith.constant 0 : i32
      %dma_start3A_69 = arith.constant 0 : i32
      %dma_start3A_70 = tpu.memref_slice %run_scoped3A[%rem3A_58, %dma_start3A_68, %dma_start3A_69] : memref<4x8x2048xf32, #tpu.memory_space<vmem>> -> memref<1x8x2048xf32, #tpu.memory_space<vmem>>
      %dma_start3A_71 = tpu.memref_squeeze %dma_start3A_70 : memref<1x8x2048xf32, #tpu.memory_space<vmem>> -> memref<8x2048xf32, #tpu.memory_space<vmem>>
      %dma_start3A_72 = arith.constant 0 : i32
      %dma_start3A_73 = tpu.memref_slice %arg2[%mul3A_60, %dma_start3A_72] : memref<16384x2048xf32, #tpu.memory_space<hbm>> -> memref<8x2048xf32, #tpu.memory_space<hbm>>
      tpu.enqueue_dma source(%dma_start3A_73 : memref<8x2048xf32, #tpu.memory_space<hbm>>) target(%dma_start3A_71 : memref<8x2048xf32, #tpu.memory_space<vmem>>) target_semaphore(%dma_start3A_67 : memref<!tpu.dma_semaphore, #tpu.memory_space<semaphore_mem>>)
      %add3A_74 = arith.constant 0 : i32
      %add3A_75 = arith.constant 1 : i32
      %add3A_76 = arith.addi %add3A_74, %add3A_75 : i32
      %select_n3A_77 = arith.constant true
      %select_n3A_78 = arith.constant 0 : i32
      %select_n3A_79 = arith.select %select_n3A_77, %add3A_76, %select_n3A_78 : i32
      "tpu.trace_stop"() : () -> ()
      "tpu.trace_start"() <{level = 10 : i32, message = "ep_initialize_1"}> : () -> ()
      %add3A_80 = arith.constant 0 : i32
      %add3A_81 = arith.constant 4 : i32
      %add3A_82 = arith.addi %add3A_80, %add3A_81 : i32
      %add3A_83 = arith.constant 1 : i32
      %add3A_84 = arith.addi %select_n3A_79, %add3A_83 : i32
      %lt3A = arith.cmpi ult, %add3A_82, %add3A_84 : i32
      %select_n3A_85 = arith.select %lt3A, %add3A_82, %add3A_84 : i32
      %add3A_86 = arith.constant 0 : i32
      %add3A_87 = arith.constant 1 : i32
      %add3A_88 = arith.addi %add3A_86, %add3A_87 : i32
      %select_n3A_89 = arith.constant true
      %select_n3A_90 = arith.constant 0 : i32
      %select_n3A_91 = arith.select %select_n3A_89, %add3A_88, %select_n3A_90 : i32
      %select_n3A_92 = arith.constant false
      %select_n3A_93 = arith.constant 0 : i32
      %select_n3A_94 = arith.select %select_n3A_92, %select_n3A_93, %select_n3A_91 : i32
      %while3A = arith.constant 0 : i32
      %while3A_95:3 = scf.while (%while3A_190 = %while3A, %while3A_191 = %select_n3A_94, %while3A_192 = %select_n3A_79) : (i32, i32, i32) -> (i32, i32, i32) {
        %lt3A_193 = arith.cmpi ult, %while3A_192, %select_n3A_85 : i32
        %lt3A_194 = arith.constant 64 : i32
        %lt3A_195 = arith.cmpi slt, %while3A_191, %lt3A_194 : i32
        %and3A = arith.constant true
        %and3A_196 = arith.andi %and3A, %lt3A_195 : i1
        %and3A_197 = arith.constant true
        %and3A_198 = arith.andi %and3A_197, %lt3A_193 : i1
        %and3A_199 = arith.andi %and3A_198, %and3A_196 : i1
        scf.condition(%and3A_199) %while3A_190, %while3A_191, %while3A_192 : i32, i32, i32
      } do {
      ^bb0(%while3A_190: i32, %while3A_191: i32, %while3A_192: i32):
        %add3A_193 = arith.addi %while3A_190, %mul3A_6 : i32
        %add3A_194 = arith.addi %while3A_191, %mul3A_6 : i32
        %ne3A = arith.cmpi ne, %add3A_193, %add3A_194 : i32
        %or3A = arith.constant false
        %or3A_195 = arith.ori %or3A, %ne3A : i1
        %or3A_196 = arith.constant false
        %or3A_197 = arith.ori %or3A_195, %or3A_196 : i1
        %convert_element_type3A = arith.extui %or3A_197 : i1 to i32
        %cond3A = arith.constant 0 : i32
        %cond3A_198 = arith.cmpi ne, %convert_element_type3A, %cond3A : i32
        scf.if %cond3A_198 {
          %rem3A_208 = arith.constant 4 : i32
          %rem3A_209 = arith.remui %while3A_192, %rem3A_208 : i32
          %mul3A_210 = arith.constant 8 : i32
          %mul3A_211 = arith.muli %mul3A_210, %add3A_194 : i32
          %dma_start3A_212 = arith.constant 0 : i32
          %dma_start3A_213 = arith.constant 0 : i32
          %dma_start3A_214 = tpu.memref_slice %run_scoped3A[%rem3A_209, %dma_start3A_212, %dma_start3A_213] : memref<4x8x2048xf32, #tpu.memory_space<vmem>> -> memref<1x8x2048xf32, #tpu.memory_space<vmem>>
          %dma_start3A_215 = tpu.memref_squeeze %dma_start3A_214 : memref<1x8x2048xf32, #tpu.memory_space<vmem>> -> memref<8x2048xf32, #tpu.memory_space<vmem>>
          %dma_start3A_216 = arith.constant 0 : i32
          %dma_start3A_217 = tpu.memref_slice %arg2[%mul3A_211, %dma_start3A_216] : memref<16384x2048xf32, #tpu.memory_space<hbm>> -> memref<8x2048xf32, #tpu.memory_space<hbm>>
          %dma_start3A_218 = tpu.memref_slice %run_scoped3A_7[%rem3A_209] : memref<4x!tpu.dma_semaphore, #tpu.memory_space<semaphore_mem>> -> memref<1x!tpu.dma_semaphore, #tpu.memory_space<semaphore_mem>>
          %dma_start3A_219 = tpu.memref_squeeze %dma_start3A_218 : memref<1x!tpu.dma_semaphore, #tpu.memory_space<semaphore_mem>> -> memref<!tpu.dma_semaphore, #tpu.memory_space<semaphore_mem>>
          %dma_start3A_220 = arith.constant 0 : i32
          %dma_start3A_221 = arith.constant 0 : i32
          %dma_start3A_222 = tpu.memref_slice %run_scoped3A[%rem3A_209, %dma_start3A_220, %dma_start3A_221] : memref<4x8x2048xf32, #tpu.memory_space<vmem>> -> memref<1x8x2048xf32, #tpu.memory_space<vmem>>
          %dma_start3A_223 = tpu.memref_squeeze %dma_start3A_222 : memref<1x8x2048xf32, #tpu.memory_space<vmem>> -> memref<8x2048xf32, #tpu.memory_space<vmem>>
          %dma_start3A_224 = arith.constant 0 : i32
          %dma_start3A_225 = tpu.memref_slice %arg2[%mul3A_211, %dma_start3A_224] : memref<16384x2048xf32, #tpu.memory_space<hbm>> -> memref<8x2048xf32, #tpu.memory_space<hbm>>
          tpu.enqueue_dma source(%dma_start3A_225 : memref<8x2048xf32, #tpu.memory_space<hbm>>) target(%dma_start3A_223 : memref<8x2048xf32, #tpu.memory_space<vmem>>) target_semaphore(%dma_start3A_219 : memref<!tpu.dma_semaphore, #tpu.memory_space<semaphore_mem>>)
        } else {
        }
        %convert_element_type3A_199 = arith.extui %or3A_197 : i1 to i32
        %add3A_200 = arith.addi %while3A_192, %convert_element_type3A_199 : i32
        %add3A_201 = arith.constant 1 : i32
        %add3A_202 = arith.addi %while3A_191, %add3A_201 : i32
        %select_n3A_203 = arith.constant true
        %select_n3A_204 = arith.select %select_n3A_203, %add3A_202, %while3A_191 : i32
        %select_n3A_205 = arith.constant false
        %select_n3A_206 = arith.constant 0 : i32
        %select_n3A_207 = arith.select %select_n3A_205, %select_n3A_206, %select_n3A_204 : i32
        scf.yield %while3A_191, %select_n3A_207, %add3A_200 : i32, i32, i32
      }
      "tpu.trace_stop"() : () -> ()
      "tpu.trace_start"() <{level = 10 : i32, message = "ep_initialize_2"}> : () -> ()
      %add3A_96 = arith.constant 0 : i32
      %add3A_97 = arith.constant 4 : i32
      %add3A_98 = arith.addi %add3A_96, %add3A_97 : i32
      %add3A_99 = arith.constant 1 : i32
      %add3A_100 = arith.addi %while3A_95#2, %add3A_99 : i32
      %lt3A_101 = arith.cmpi ult, %add3A_98, %add3A_100 : i32
      %select_n3A_102 = arith.select %lt3A_101, %add3A_98, %add3A_100 : i32
      %add3A_103 = arith.constant 1 : i32
      %add3A_104 = arith.addi %while3A_95#0, %add3A_103 : i32
      %select_n3A_105 = arith.constant true
      %select_n3A_106 = arith.select %select_n3A_105, %add3A_104, %while3A_95#0 : i32
      %select_n3A_107 = arith.constant false
      %select_n3A_108 = arith.constant 0 : i32
      %select_n3A_109 = arith.select %select_n3A_107, %select_n3A_108, %select_n3A_106 : i32
      %while3A_110:3 = scf.while (%while3A_190 = %while3A_95#0, %while3A_191 = %select_n3A_109, %while3A_192 = %while3A_95#2) : (i32, i32, i32) -> (i32, i32, i32) {
        %lt3A_193 = arith.cmpi ult, %while3A_192, %select_n3A_102 : i32
        %lt3A_194 = arith.constant 64 : i32
        %lt3A_195 = arith.cmpi slt, %while3A_191, %lt3A_194 : i32
        %and3A = arith.constant true
        %and3A_196 = arith.andi %and3A, %lt3A_195 : i1
        %and3A_197 = arith.constant true
        %and3A_198 = arith.andi %and3A_197, %lt3A_193 : i1
        %and3A_199 = arith.andi %and3A_198, %and3A_196 : i1
        scf.condition(%and3A_199) %while3A_190, %while3A_191, %while3A_192 : i32, i32, i32
      } do {
      ^bb0(%while3A_190: i32, %while3A_191: i32, %while3A_192: i32):
        %add3A_193 = arith.addi %while3A_190, %mul3A_6 : i32
        %add3A_194 = arith.addi %while3A_191, %mul3A_6 : i32
        %ne3A = arith.cmpi ne, %add3A_193, %add3A_194 : i32
        %or3A = arith.constant false
        %or3A_195 = arith.ori %or3A, %ne3A : i1
        %or3A_196 = arith.constant false
        %or3A_197 = arith.ori %or3A_195, %or3A_196 : i1
        %convert_element_type3A = arith.extui %or3A_197 : i1 to i32
        %cond3A = arith.constant 0 : i32
        %cond3A_198 = arith.cmpi ne, %convert_element_type3A, %cond3A : i32
        scf.if %cond3A_198 {
          %rem3A_208 = arith.constant 4 : i32
          %rem3A_209 = arith.remui %while3A_192, %rem3A_208 : i32
          %mul3A_210 = arith.constant 8 : i32
          %mul3A_211 = arith.muli %mul3A_210, %add3A_194 : i32
          %dma_start3A_212 = arith.constant 0 : i32
          %dma_start3A_213 = arith.constant 0 : i32
          %dma_start3A_214 = tpu.memref_slice %run_scoped3A[%rem3A_209, %dma_start3A_212, %dma_start3A_213] : memref<4x8x2048xf32, #tpu.memory_space<vmem>> -> memref<1x8x2048xf32, #tpu.memory_space<vmem>>
          %dma_start3A_215 = tpu.memref_squeeze %dma_start3A_214 : memref<1x8x2048xf32, #tpu.memory_space<vmem>> -> memref<8x2048xf32, #tpu.memory_space<vmem>>
          %dma_start3A_216 = arith.constant 0 : i32
          %dma_start3A_217 = tpu.memref_slice %arg2[%mul3A_211, %dma_start3A_216] : memref<16384x2048xf32, #tpu.memory_space<hbm>> -> memref<8x2048xf32, #tpu.memory_space<hbm>>
          %dma_start3A_218 = tpu.memref_slice %run_scoped3A_7[%rem3A_209] : memref<4x!tpu.dma_semaphore, #tpu.memory_space<semaphore_mem>> -> memref<1x!tpu.dma_semaphore, #tpu.memory_space<semaphore_mem>>
          %dma_start3A_219 = tpu.memref_squeeze %dma_start3A_218 : memref<1x!tpu.dma_semaphore, #tpu.memory_space<semaphore_mem>> -> memref<!tpu.dma_semaphore, #tpu.memory_space<semaphore_mem>>
          %dma_start3A_220 = arith.constant 0 : i32
          %dma_start3A_221 = arith.constant 0 : i32
          %dma_start3A_222 = tpu.memref_slice %run_scoped3A[%rem3A_209, %dma_start3A_220, %dma_start3A_221] : memref<4x8x2048xf32, #tpu.memory_space<vmem>> -> memref<1x8x2048xf32, #tpu.memory_space<vmem>>
          %dma_start3A_223 = tpu.memref_squeeze %dma_start3A_222 : memref<1x8x2048xf32, #tpu.memory_space<vmem>> -> memref<8x2048xf32, #tpu.memory_space<vmem>>
          %dma_start3A_224 = arith.constant 0 : i32
          %dma_start3A_225 = tpu.memref_slice %arg2[%mul3A_211, %dma_start3A_224] : memref<16384x2048xf32, #tpu.memory_space<hbm>> -> memref<8x2048xf32, #tpu.memory_space<hbm>>
          tpu.enqueue_dma source(%dma_start3A_225 : memref<8x2048xf32, #tpu.memory_space<hbm>>) target(%dma_start3A_223 : memref<8x2048xf32, #tpu.memory_space<vmem>>) target_semaphore(%dma_start3A_219 : memref<!tpu.dma_semaphore, #tpu.memory_space<semaphore_mem>>)
        } else {
        }
        %convert_element_type3A_199 = arith.extui %or3A_197 : i1 to i32
        %add3A_200 = arith.addi %while3A_192, %convert_element_type3A_199 : i32
        %add3A_201 = arith.constant 1 : i32
        %add3A_202 = arith.addi %while3A_191, %add3A_201 : i32
        %select_n3A_203 = arith.constant true
        %select_n3A_204 = arith.select %select_n3A_203, %add3A_202, %while3A_191 : i32
        %select_n3A_205 = arith.constant false
        %select_n3A_206 = arith.constant 0 : i32
        %select_n3A_207 = arith.select %select_n3A_205, %select_n3A_206, %select_n3A_204 : i32
        scf.yield %while3A_191, %select_n3A_207, %add3A_200 : i32, i32, i32
      }
      "tpu.trace_stop"() : () -> ()
      %scan3A = arith.constant 0 : i32
      %scan3A_111 = arith.constant 0 : i32
      %scan3A_112 = arith.constant 0 : i32
      %scan3A_113 = arith.constant 0 : i32
      %scan3A_114 = arith.constant 0 : i32
      %scan3A_115 = arith.constant 64 : i32
      %scan3A_116 = arith.addi %scan3A_114, %scan3A_115 : i32
      %scan3A_117 = arith.constant 1 : i32
      %scan3A_118:6 = scf.for %scan3A_190 = %scan3A_114 to %scan3A_116 step %scan3A_117 iter_args(%scan3A_191 = %while3A_110#2, %scan3A_192 = %scan3A, %scan3A_193 = %while3A_110#0, %scan3A_194 = %scan3A_111, %scan3A_195 = %scan3A_112, %scan3A_196 = %scan3A_113) -> (i32, i32, i32, i32, i32, i32)  : i32 {
        %eq3A_197 = arith.constant 0 : i32
        %eq3A_198 = arith.cmpi eq, %scan3A_190, %eq3A_197 : i32
        %eq3A_199 = arith.constant 63 : i32
        %eq3A_200 = arith.cmpi eq, %scan3A_190, %eq3A_199 : i32
        %add3A_201 = arith.addi %scan3A_196, %mul3A_6 : i32
        %sub3A_202 = arith.constant 1 : i32
        %sub3A_203 = arith.subi %scan3A_196, %sub3A_202 : i32
        %select_n3A_204 = arith.constant true
        %select_n3A_205 = arith.select %select_n3A_204, %sub3A_203, %scan3A_196 : i32
        %eq3A_206 = arith.constant -1 : i32
        %eq3A_207 = arith.cmpi eq, %select_n3A_205, %eq3A_206 : i32
        %select_n3A_208 = arith.constant 63 : i32
        %select_n3A_209 = arith.select %eq3A_207, %select_n3A_208, %select_n3A_205 : i32
        %add3A_210 = arith.addi %select_n3A_209, %mul3A_6 : i32
        %add3A_211 = arith.constant 1 : i32
        %add3A_212 = arith.addi %scan3A_196, %add3A_211 : i32
        %select_n3A_213 = arith.constant true
        %select_n3A_214 = arith.select %select_n3A_213, %add3A_212, %scan3A_196 : i32
        %eq3A_215 = arith.constant 64 : i32
        %eq3A_216 = arith.cmpi eq, %select_n3A_214, %eq3A_215 : i32
        %select_n3A_217 = arith.constant 0 : i32
        %select_n3A_218 = arith.select %eq3A_216, %select_n3A_217, %select_n3A_214 : i32
        %add3A_219 = arith.addi %select_n3A_218, %mul3A_6 : i32
        %add3A_220 = arith.constant 1 : i32
        %add3A_221 = arith.addi %select_n3A_218, %add3A_220 : i32
        %select_n3A_222 = arith.constant true
        %select_n3A_223 = arith.select %select_n3A_222, %add3A_221, %select_n3A_218 : i32
        %eq3A_224 = arith.constant 64 : i32
        %eq3A_225 = arith.cmpi eq, %select_n3A_223, %eq3A_224 : i32
        %select_n3A_226 = arith.constant 0 : i32
        %select_n3A_227 = arith.select %eq3A_225, %select_n3A_226, %select_n3A_223 : i32
        %add3A_228 = arith.addi %select_n3A_227, %mul3A_6 : i32
        %add3A_229 = arith.constant 1 : i32
        %add3A_230 = arith.addi %select_n3A_227, %add3A_229 : i32
        %select_n3A_231 = arith.constant true
        %select_n3A_232 = arith.select %select_n3A_231, %add3A_230, %select_n3A_227 : i32
        %eq3A_233 = arith.constant 64 : i32
        %eq3A_234 = arith.cmpi eq, %select_n3A_232, %eq3A_233 : i32
        %select_n3A_235 = arith.constant 0 : i32
        %select_n3A_236 = arith.select %eq3A_234, %select_n3A_235, %select_n3A_232 : i32
        %add3A_237 = arith.addi %select_n3A_236, %mul3A_6 : i32
        %add3A_238 = arith.constant 1 : i32
        %add3A_239 = arith.addi %select_n3A_236, %add3A_238 : i32
        %select_n3A_240 = arith.constant true
        %select_n3A_241 = arith.select %select_n3A_240, %add3A_239, %select_n3A_236 : i32
        %eq3A_242 = arith.constant 64 : i32
        %eq3A_243 = arith.cmpi eq, %select_n3A_241, %eq3A_242 : i32
        %select_n3A_244 = arith.constant 0 : i32
        %select_n3A_245 = arith.select %eq3A_243, %select_n3A_244, %select_n3A_241 : i32
        %add3A_246 = arith.addi %select_n3A_245, %mul3A_6 : i32
        %ne3A = arith.cmpi ne, %add3A_228, %add3A_237 : i32
        %or3A = arith.constant false
        %or3A_247 = arith.ori %or3A, %ne3A : i1
        %or3A_248 = arith.constant false
        %or3A_249 = arith.ori %or3A_247, %or3A_248 : i1
        %ge3A = arith.constant 61 : i32
        %ge3A_250 = arith.cmpi sge, %scan3A_190, %ge3A : i32
        %not3A = arith.constant true
        %not3A_251 = arith.xori %ge3A_250, %not3A : i1
        %and3A = arith.andi %or3A_249, %not3A_251 : i1
        %add3A_252 = arith.constant 4 : i32
        %add3A_253 = arith.addi %scan3A_192, %add3A_252 : i32
        %add3A_254 = arith.constant 1 : i32
        %add3A_255 = arith.addi %scan3A_193, %add3A_254 : i32
        %select_n3A_256 = arith.constant true
        %select_n3A_257 = arith.select %select_n3A_256, %add3A_255, %scan3A_193 : i32
        %select_n3A_258 = arith.constant false
        %select_n3A_259 = arith.constant 0 : i32
        %select_n3A_260 = arith.select %select_n3A_258, %select_n3A_259, %select_n3A_257 : i32
        %while3A_261:3 = scf.while (%while3A_365 = %scan3A_193, %while3A_366 = %select_n3A_260, %while3A_367 = %scan3A_191) : (i32, i32, i32) -> (i32, i32, i32) {
          %lt3A_368 = arith.cmpi ult, %while3A_367, %add3A_253 : i32
          %lt3A_369 = arith.constant 64 : i32
          %lt3A_370 = arith.cmpi slt, %while3A_366, %lt3A_369 : i32
          %and3A_371 = arith.constant true
          %and3A_372 = arith.andi %and3A_371, %lt3A_370 : i1
          %and3A_373 = arith.constant true
          %and3A_374 = arith.andi %and3A_373, %lt3A_368 : i1
          %and3A_375 = arith.andi %and3A_374, %and3A_372 : i1
          scf.condition(%and3A_375) %while3A_365, %while3A_366, %while3A_367 : i32, i32, i32
        } do {
        ^bb0(%while3A_365: i32, %while3A_366: i32, %while3A_367: i32):
          %add3A_368 = arith.addi %while3A_365, %mul3A_6 : i32
          %add3A_369 = arith.addi %while3A_366, %mul3A_6 : i32
          %ne3A_370 = arith.cmpi ne, %add3A_368, %add3A_369 : i32
          %or3A_371 = arith.constant false
          %or3A_372 = arith.ori %or3A_371, %ne3A_370 : i1
          %or3A_373 = arith.constant false
          %or3A_374 = arith.ori %or3A_372, %or3A_373 : i1
          %convert_element_type3A_375 = arith.extui %or3A_374 : i1 to i32
          %cond3A_376 = arith.constant 0 : i32
          %cond3A_377 = arith.cmpi ne, %convert_element_type3A_375, %cond3A_376 : i32
          scf.if %cond3A_377 {
            %rem3A_387 = arith.constant 4 : i32
            %rem3A_388 = arith.remui %while3A_367, %rem3A_387 : i32
            %mul3A_389 = arith.constant 8 : i32
            %mul3A_390 = arith.muli %mul3A_389, %add3A_369 : i32
            %dma_start3A_391 = arith.constant 0 : i32
            %dma_start3A_392 = arith.constant 0 : i32
            %dma_start3A_393 = tpu.memref_slice %run_scoped3A[%rem3A_388, %dma_start3A_391, %dma_start3A_392] : memref<4x8x2048xf32, #tpu.memory_space<vmem>> -> memref<1x8x2048xf32, #tpu.memory_space<vmem>>
            %dma_start3A_394 = tpu.memref_squeeze %dma_start3A_393 : memref<1x8x2048xf32, #tpu.memory_space<vmem>> -> memref<8x2048xf32, #tpu.memory_space<vmem>>
            %dma_start3A_395 = arith.constant 0 : i32
            %dma_start3A_396 = tpu.memref_slice %arg2[%mul3A_390, %dma_start3A_395] : memref<16384x2048xf32, #tpu.memory_space<hbm>> -> memref<8x2048xf32, #tpu.memory_space<hbm>>
            %dma_start3A_397 = tpu.memref_slice %run_scoped3A_7[%rem3A_388] : memref<4x!tpu.dma_semaphore, #tpu.memory_space<semaphore_mem>> -> memref<1x!tpu.dma_semaphore, #tpu.memory_space<semaphore_mem>>
            %dma_start3A_398 = tpu.memref_squeeze %dma_start3A_397 : memref<1x!tpu.dma_semaphore, #tpu.memory_space<semaphore_mem>> -> memref<!tpu.dma_semaphore, #tpu.memory_space<semaphore_mem>>
            %dma_start3A_399 = arith.constant 0 : i32
            %dma_start3A_400 = arith.constant 0 : i32
            %dma_start3A_401 = tpu.memref_slice %run_scoped3A[%rem3A_388, %dma_start3A_399, %dma_start3A_400] : memref<4x8x2048xf32, #tpu.memory_space<vmem>> -> memref<1x8x2048xf32, #tpu.memory_space<vmem>>
            %dma_start3A_402 = tpu.memref_squeeze %dma_start3A_401 : memref<1x8x2048xf32, #tpu.memory_space<vmem>> -> memref<8x2048xf32, #tpu.memory_space<vmem>>
            %dma_start3A_403 = arith.constant 0 : i32
            %dma_start3A_404 = tpu.memref_slice %arg2[%mul3A_390, %dma_start3A_403] : memref<16384x2048xf32, #tpu.memory_space<hbm>> -> memref<8x2048xf32, #tpu.memory_space<hbm>>
            tpu.enqueue_dma source(%dma_start3A_404 : memref<8x2048xf32, #tpu.memory_space<hbm>>) target(%dma_start3A_402 : memref<8x2048xf32, #tpu.memory_space<vmem>>) target_semaphore(%dma_start3A_398 : memref<!tpu.dma_semaphore, #tpu.memory_space<semaphore_mem>>)
          } else {
          }
          %convert_element_type3A_378 = arith.extui %or3A_374 : i1 to i32
          %add3A_379 = arith.addi %while3A_367, %convert_element_type3A_378 : i32
          %add3A_380 = arith.constant 1 : i32
          %add3A_381 = arith.addi %while3A_366, %add3A_380 : i32
          %select_n3A_382 = arith.constant true
          %select_n3A_383 = arith.select %select_n3A_382, %add3A_381, %while3A_366 : i32
          %select_n3A_384 = arith.constant false
          %select_n3A_385 = arith.constant 0 : i32
          %select_n3A_386 = arith.select %select_n3A_384, %select_n3A_385, %select_n3A_383 : i32
          scf.yield %while3A_366, %select_n3A_386, %add3A_379 : i32, i32, i32
        }
        %ne3A_262 = arith.cmpi ne, %add3A_201, %add3A_219 : i32
        %or3A_263 = arith.constant false
        %or3A_264 = arith.ori %or3A_263, %ne3A_262 : i1
        %or3A_265 = arith.constant false
        %or3A_266 = arith.ori %or3A_264, %or3A_265 : i1
        %ge3A_267 = arith.constant 63 : i32
        %ge3A_268 = arith.cmpi sge, %scan3A_190, %ge3A_267 : i32
        %not3A_269 = arith.constant true
        %not3A_270 = arith.xori %ge3A_268, %not3A_269 : i1
        %and3A_271 = arith.andi %or3A_266, %not3A_270 : i1
        %ne3A_272 = arith.cmpi ne, %add3A_201, %add3A_210 : i32
        %or3A_273 = arith.constant false
        %or3A_274 = arith.ori %or3A_273, %ne3A_272 : i1
        %or3A_275 = arith.constant false
        %or3A_276 = arith.ori %or3A_274, %or3A_275 : i1
        %or3A_277 = arith.ori %or3A_276, %eq3A_198 : i1
        %convert_element_type3A = arith.extui %or3A_277 : i1 to i32
        %cond3A = arith.constant 0 : i32
        %cond3A_278 = arith.cmpi ne, %convert_element_type3A, %cond3A : i32
        scf.if %cond3A_278 {
          "tpu.trace_start"() <{level = 10 : i32, message = "ep_wait_in"}> : () -> ()
          %mul3A_365 = arith.constant 8 : i32
          %mul3A_366 = arith.muli %mul3A_365, %add3A_201 : i32
          %rem3A_367 = arith.constant 4 : i32
          %rem3A_368 = arith.remui %scan3A_192, %rem3A_367 : i32
          %dma_wait3A_369 = arith.constant 0 : i32
          %dma_wait3A_370 = arith.constant 0 : i32
          %dma_wait3A_371 = tpu.memref_slice %run_scoped3A[%rem3A_368, %dma_wait3A_369, %dma_wait3A_370] : memref<4x8x2048xf32, #tpu.memory_space<vmem>> -> memref<1x8x2048xf32, #tpu.memory_space<vmem>>
          %dma_wait3A_372 = tpu.memref_squeeze %dma_wait3A_371 : memref<1x8x2048xf32, #tpu.memory_space<vmem>> -> memref<8x2048xf32, #tpu.memory_space<vmem>>
          %dma_wait3A_373 = arith.constant 0 : i32
          %dma_wait3A_374 = tpu.memref_slice %arg2[%mul3A_366, %dma_wait3A_373] : memref<16384x2048xf32, #tpu.memory_space<hbm>> -> memref<8x2048xf32, #tpu.memory_space<hbm>>
          %dma_wait3A_375 = tpu.memref_slice %run_scoped3A_7[%rem3A_368] : memref<4x!tpu.dma_semaphore, #tpu.memory_space<semaphore_mem>> -> memref<1x!tpu.dma_semaphore, #tpu.memory_space<semaphore_mem>>
          %dma_wait3A_376 = tpu.memref_squeeze %dma_wait3A_375 : memref<1x!tpu.dma_semaphore, #tpu.memory_space<semaphore_mem>> -> memref<!tpu.dma_semaphore, #tpu.memory_space<semaphore_mem>>
          %dma_wait3A_377 = arith.constant 0 : i32
          %dma_wait3A_378 = arith.constant 0 : i32
          %dma_wait3A_379 = tpu.memref_slice %run_scoped3A[%rem3A_368, %dma_wait3A_377, %dma_wait3A_378] : memref<4x8x2048xf32, #tpu.memory_space<vmem>> -> memref<1x8x2048xf32, #tpu.memory_space<vmem>>
          %dma_wait3A_380 = tpu.memref_squeeze %dma_wait3A_379 : memref<1x8x2048xf32, #tpu.memory_space<vmem>> -> memref<8x2048xf32, #tpu.memory_space<vmem>>
          %dma_wait3A_381 = arith.constant 0 : i32
          %dma_wait3A_382 = tpu.memref_slice %arg2[%mul3A_366, %dma_wait3A_381] : memref<16384x2048xf32, #tpu.memory_space<hbm>> -> memref<8x2048xf32, #tpu.memory_space<hbm>>
          tpu.wait_dma2 semaphore(%dma_wait3A_376 : memref<!tpu.dma_semaphore, #tpu.memory_space<semaphore_mem>>) src(%dma_wait3A_382 : memref<8x2048xf32, #tpu.memory_space<hbm>>) dst(%dma_wait3A_380 : memref<8x2048xf32, #tpu.memory_space<vmem>>)
          "tpu.trace_stop"() : () -> ()
        } else {
        }
        %ne3A_279 = arith.cmpi ne, %add3A_201, %add3A_210 : i32
        %or3A_280 = arith.constant false
        %or3A_281 = arith.ori %or3A_280, %ne3A_279 : i1
        %or3A_282 = arith.constant false
        %or3A_283 = arith.ori %or3A_281, %or3A_282 : i1
        %or3A_284 = arith.ori %or3A_283, %eq3A_198 : i1
        %convert_element_type3A_285 = arith.extui %or3A_284 : i1 to i32
        %cond3A_286 = arith.constant 0 : i32
        %cond3A_287 = arith.cmpi ne, %convert_element_type3A_285, %cond3A_286 : i32
        scf.if %cond3A_287 {
        } else {
        }
        %rem3A_288 = arith.constant 4 : i32
        %rem3A_289 = arith.remui %scan3A_192, %rem3A_288 : i32
        %rem3A_290 = arith.constant 2 : i32
        %rem3A_291 = arith.remui %scan3A_194, %rem3A_290 : i32
        %parallel_loop3A = arith.constant 0 : i32
        %parallel_loop3A_292 = arith.constant 128 : i32
        %parallel_loop3A_293 = arith.constant 1 : i32
        "tpu.trace_start"() <{level = 10 : i32, message = "ep_run_kernel"}> : () -> ()
        scf.for %parallel_loop3A_365 = %parallel_loop3A to %parallel_loop3A_292 step %parallel_loop3A_293  : i32 {
          %parallel_loop3A_366 = arith.constant 16 : i32
          %parallel_loop3A_367 = arith.muli %parallel_loop3A_365, %parallel_loop3A_366 : i32
          %parallel_loop3A_368 = arith.index_cast %parallel_loop3A_367 : i32 to index
          %parallel_loop3A_369 = tpu.vector_load %arg5[%parallel_loop3A_368] {strides = array<i32>} : memref<2048xi32, #tpu.memory_space<vmem>>, vector<16xi32>,
          %parallel_loop3A_370 = arith.constant 0 : i32
          %parallel_loop3A_371 = vector.broadcast %parallel_loop3A_370 : i32 to vector<16xi32>
          %parallel_loop3A_372 = arith.constant 0 : i32
          %parallel_loop3A_373 = arith.constant 0 : i32
          %parallel_loop3A_374 = tpu.memref_slice %run_scoped3A[%rem3A_289, %parallel_loop3A_372, %parallel_loop3A_373] : memref<4x8x2048xf32, #tpu.memory_space<vmem>> -> memref<1x8x2048xf32, #tpu.memory_space<vmem>>
          %parallel_loop3A_375 = tpu.memref_squeeze %parallel_loop3A_374 : memref<1x8x2048xf32, #tpu.memory_space<vmem>> -> memref<8x2048xf32, #tpu.memory_space<vmem>>
          %parallel_loop3A_376 = tpu.vector_load_idx %parallel_loop3A_375[%parallel_loop3A_371, %parallel_loop3A_369] : memref<8x2048xf32, #tpu.memory_space<vmem>>[vector<16xi32>, vector<16xi32>], vector<16xf32>,
          %parallel_loop3A_377 = arith.constant 16 : i32
          %parallel_loop3A_378 = arith.muli %parallel_loop3A_365, %parallel_loop3A_377 : i32
          %parallel_loop3A_379 = arith.constant 0 : i32
          %parallel_loop3A_380 = arith.constant 0 : i32
          %parallel_loop3A_381 = arith.constant 0 : i32
          %parallel_loop3A_382 = tpu.memref_slice %run_scoped3A_8[%rem3A_291, %parallel_loop3A_380, %parallel_loop3A_381] : memref<2x8x2048xf32, #tpu.memory_space<vmem>> -> memref<1x8x2048xf32, #tpu.memory_space<vmem>>
          %parallel_loop3A_383 = tpu.memref_squeeze %parallel_loop3A_382 : memref<1x8x2048xf32, #tpu.memory_space<vmem>> -> memref<8x2048xf32, #tpu.memory_space<vmem>>
          %parallel_loop3A_384 = arith.index_cast %parallel_loop3A_379 : i32 to index
          %parallel_loop3A_385 = arith.index_cast %parallel_loop3A_378 : i32 to index
          %parallel_loop3A_386 = tpu.vector_load %parallel_loop3A_383[%parallel_loop3A_384, %parallel_loop3A_385] {strides = array<i32>} : memref<8x2048xf32, #tpu.memory_space<vmem>>, vector<16xf32>,
          tpu.vector_store %parallel_loop3A_383[%parallel_loop3A_384, %parallel_loop3A_385], %parallel_loop3A_376 {strides = array<i32>} : memref<8x2048xf32, #tpu.memory_space<vmem>>, vector<16xf32>,
          %parallel_loop3A_387 = arith.constant 1 : i32
          %parallel_loop3A_388 = vector.broadcast %parallel_loop3A_387 : i32 to vector<16xi32>
          %parallel_loop3A_389 = arith.constant 0 : i32
          %parallel_loop3A_390 = arith.constant 0 : i32
          %parallel_loop3A_391 = tpu.memref_slice %run_scoped3A[%rem3A_289, %parallel_loop3A_389, %parallel_loop3A_390] : memref<4x8x2048xf32, #tpu.memory_space<vmem>> -> memref<1x8x2048xf32, #tpu.memory_space<vmem>>
          %parallel_loop3A_392 = tpu.memref_squeeze %parallel_loop3A_391 : memref<1x8x2048xf32, #tpu.memory_space<vmem>> -> memref<8x2048xf32, #tpu.memory_space<vmem>>
          %parallel_loop3A_393 = tpu.vector_load_idx %parallel_loop3A_392[%parallel_loop3A_388, %parallel_loop3A_369] : memref<8x2048xf32, #tpu.memory_space<vmem>>[vector<16xi32>, vector<16xi32>], vector<16xf32>,
          %parallel_loop3A_394 = arith.constant 16 : i32
          %parallel_loop3A_395 = arith.muli %parallel_loop3A_365, %parallel_loop3A_394 : i32
          %parallel_loop3A_396 = arith.constant 1 : i32
          %parallel_loop3A_397 = arith.constant 0 : i32
          %parallel_loop3A_398 = arith.constant 0 : i32
          %parallel_loop3A_399 = tpu.memref_slice %run_scoped3A_8[%rem3A_291, %parallel_loop3A_397, %parallel_loop3A_398] : memref<2x8x2048xf32, #tpu.memory_space<vmem>> -> memref<1x8x2048xf32, #tpu.memory_space<vmem>>
          %parallel_loop3A_400 = tpu.memref_squeeze %parallel_loop3A_399 : memref<1x8x2048xf32, #tpu.memory_space<vmem>> -> memref<8x2048xf32, #tpu.memory_space<vmem>>
          %parallel_loop3A_401 = arith.index_cast %parallel_loop3A_396 : i32 to index
          %parallel_loop3A_402 = arith.index_cast %parallel_loop3A_395 : i32 to index
          %parallel_loop3A_403 = tpu.vector_load %parallel_loop3A_400[%parallel_loop3A_401, %parallel_loop3A_402] {strides = array<i32>} : memref<8x2048xf32, #tpu.memory_space<vmem>>, vector<16xf32>,
          tpu.vector_store %parallel_loop3A_400[%parallel_loop3A_401, %parallel_loop3A_402], %parallel_loop3A_393 {strides = array<i32>} : memref<8x2048xf32, #tpu.memory_space<vmem>>, vector<16xf32>,
          %parallel_loop3A_404 = arith.constant 2 : i32
          %parallel_loop3A_405 = vector.broadcast %parallel_loop3A_404 : i32 to vector<16xi32>
          %parallel_loop3A_406 = arith.constant 0 : i32
          %parallel_loop3A_407 = arith.constant 0 : i32
          %parallel_loop3A_408 = tpu.memref_slice %run_scoped3A[%rem3A_289, %parallel_loop3A_406, %parallel_loop3A_407] : memref<4x8x2048xf32, #tpu.memory_space<vmem>> -> memref<1x8x2048xf32, #tpu.memory_space<vmem>>
          %parallel_loop3A_409 = tpu.memref_squeeze %parallel_loop3A_408 : memref<1x8x2048xf32, #tpu.memory_space<vmem>> -> memref<8x2048xf32, #tpu.memory_space<vmem>>
          %parallel_loop3A_410 = tpu.vector_load_idx %parallel_loop3A_409[%parallel_loop3A_405, %parallel_loop3A_369] : memref<8x2048xf32, #tpu.memory_space<vmem>>[vector<16xi32>, vector<16xi32>], vector<16xf32>,
          %parallel_loop3A_411 = arith.constant 16 : i32
          %parallel_loop3A_412 = arith.muli %parallel_loop3A_365, %parallel_loop3A_411 : i32
          %parallel_loop3A_413 = arith.constant 2 : i32
          %parallel_loop3A_414 = arith.constant 0 : i32
          %parallel_loop3A_415 = arith.constant 0 : i32
          %parallel_loop3A_416 = tpu.memref_slice %run_scoped3A_8[%rem3A_291, %parallel_loop3A_414, %parallel_loop3A_415] : memref<2x8x2048xf32, #tpu.memory_space<vmem>> -> memref<1x8x2048xf32, #tpu.memory_space<vmem>>
          %parallel_loop3A_417 = tpu.memref_squeeze %parallel_loop3A_416 : memref<1x8x2048xf32, #tpu.memory_space<vmem>> -> memref<8x2048xf32, #tpu.memory_space<vmem>>
          %parallel_loop3A_418 = arith.index_cast %parallel_loop3A_413 : i32 to index
          %parallel_loop3A_419 = arith.index_cast %parallel_loop3A_412 : i32 to index
          %parallel_loop3A_420 = tpu.vector_load %parallel_loop3A_417[%parallel_loop3A_418, %parallel_loop3A_419] {strides = array<i32>} : memref<8x2048xf32, #tpu.memory_space<vmem>>, vector<16xf32>,
          tpu.vector_store %parallel_loop3A_417[%parallel_loop3A_418, %parallel_loop3A_419], %parallel_loop3A_410 {strides = array<i32>} : memref<8x2048xf32, #tpu.memory_space<vmem>>, vector<16xf32>,
          %parallel_loop3A_421 = arith.constant 3 : i32
          %parallel_loop3A_422 = vector.broadcast %parallel_loop3A_421 : i32 to vector<16xi32>
          %parallel_loop3A_423 = arith.constant 0 : i32
          %parallel_loop3A_424 = arith.constant 0 : i32
          %parallel_loop3A_425 = tpu.memref_slice %run_scoped3A[%rem3A_289, %parallel_loop3A_423, %parallel_loop3A_424] : memref<4x8x2048xf32, #tpu.memory_space<vmem>> -> memref<1x8x2048xf32, #tpu.memory_space<vmem>>
          %parallel_loop3A_426 = tpu.memref_squeeze %parallel_loop3A_425 : memref<1x8x2048xf32, #tpu.memory_space<vmem>> -> memref<8x2048xf32, #tpu.memory_space<vmem>>
          %parallel_loop3A_427 = tpu.vector_load_idx %parallel_loop3A_426[%parallel_loop3A_422, %parallel_loop3A_369] : memref<8x2048xf32, #tpu.memory_space<vmem>>[vector<16xi32>, vector<16xi32>], vector<16xf32>,
          %parallel_loop3A_428 = arith.constant 16 : i32
          %parallel_loop3A_429 = arith.muli %parallel_loop3A_365, %parallel_loop3A_428 : i32
          %parallel_loop3A_430 = arith.constant 3 : i32
          %parallel_loop3A_431 = arith.constant 0 : i32
          %parallel_loop3A_432 = arith.constant 0 : i32
          %parallel_loop3A_433 = tpu.memref_slice %run_scoped3A_8[%rem3A_291, %parallel_loop3A_431, %parallel_loop3A_432] : memref<2x8x2048xf32, #tpu.memory_space<vmem>> -> memref<1x8x2048xf32, #tpu.memory_space<vmem>>
          %parallel_loop3A_434 = tpu.memref_squeeze %parallel_loop3A_433 : memref<1x8x2048xf32, #tpu.memory_space<vmem>> -> memref<8x2048xf32, #tpu.memory_space<vmem>>
          %parallel_loop3A_435 = arith.index_cast %parallel_loop3A_430 : i32 to index
          %parallel_loop3A_436 = arith.index_cast %parallel_loop3A_429 : i32 to index
          %parallel_loop3A_437 = tpu.vector_load %parallel_loop3A_434[%parallel_loop3A_435, %parallel_loop3A_436] {strides = array<i32>} : memref<8x2048xf32, #tpu.memory_space<vmem>>, vector<16xf32>,
          tpu.vector_store %parallel_loop3A_434[%parallel_loop3A_435, %parallel_loop3A_436], %parallel_loop3A_427 {strides = array<i32>} : memref<8x2048xf32, #tpu.memory_space<vmem>>, vector<16xf32>,
          %parallel_loop3A_438 = arith.constant 4 : i32
          %parallel_loop3A_439 = vector.broadcast %parallel_loop3A_438 : i32 to vector<16xi32>
          %parallel_loop3A_440 = arith.constant 0 : i32
          %parallel_loop3A_441 = arith.constant 0 : i32
          %parallel_loop3A_442 = tpu.memref_slice %run_scoped3A[%rem3A_289, %parallel_loop3A_440, %parallel_loop3A_441] : memref<4x8x2048xf32, #tpu.memory_space<vmem>> -> memref<1x8x2048xf32, #tpu.memory_space<vmem>>
          %parallel_loop3A_443 = tpu.memref_squeeze %parallel_loop3A_442 : memref<1x8x2048xf32, #tpu.memory_space<vmem>> -> memref<8x2048xf32, #tpu.memory_space<vmem>>
          %parallel_loop3A_444 = tpu.vector_load_idx %parallel_loop3A_443[%parallel_loop3A_439, %parallel_loop3A_369] : memref<8x2048xf32, #tpu.memory_space<vmem>>[vector<16xi32>, vector<16xi32>], vector<16xf32>,
          %parallel_loop3A_445 = arith.constant 16 : i32
          %parallel_loop3A_446 = arith.muli %parallel_loop3A_365, %parallel_loop3A_445 : i32
          %parallel_loop3A_447 = arith.constant 4 : i32
          %parallel_loop3A_448 = arith.constant 0 : i32
          %parallel_loop3A_449 = arith.constant 0 : i32
          %parallel_loop3A_450 = tpu.memref_slice %run_scoped3A_8[%rem3A_291, %parallel_loop3A_448, %parallel_loop3A_449] : memref<2x8x2048xf32, #tpu.memory_space<vmem>> -> memref<1x8x2048xf32, #tpu.memory_space<vmem>>
          %parallel_loop3A_451 = tpu.memref_squeeze %parallel_loop3A_450 : memref<1x8x2048xf32, #tpu.memory_space<vmem>> -> memref<8x2048xf32, #tpu.memory_space<vmem>>
          %parallel_loop3A_452 = arith.index_cast %parallel_loop3A_447 : i32 to index
          %parallel_loop3A_453 = arith.index_cast %parallel_loop3A_446 : i32 to index
          %parallel_loop3A_454 = tpu.vector_load %parallel_loop3A_451[%parallel_loop3A_452, %parallel_loop3A_453] {strides = array<i32>} : memref<8x2048xf32, #tpu.memory_space<vmem>>, vector<16xf32>,
          tpu.vector_store %parallel_loop3A_451[%parallel_loop3A_452, %parallel_loop3A_453], %parallel_loop3A_444 {strides = array<i32>} : memref<8x2048xf32, #tpu.memory_space<vmem>>, vector<16xf32>,
          %parallel_loop3A_455 = arith.constant 5 : i32
          %parallel_loop3A_456 = vector.broadcast %parallel_loop3A_455 : i32 to vector<16xi32>
          %parallel_loop3A_457 = arith.constant 0 : i32
          %parallel_loop3A_458 = arith.constant 0 : i32
          %parallel_loop3A_459 = tpu.memref_slice %run_scoped3A[%rem3A_289, %parallel_loop3A_457, %parallel_loop3A_458] : memref<4x8x2048xf32, #tpu.memory_space<vmem>> -> memref<1x8x2048xf32, #tpu.memory_space<vmem>>
          %parallel_loop3A_460 = tpu.memref_squeeze %parallel_loop3A_459 : memref<1x8x2048xf32, #tpu.memory_space<vmem>> -> memref<8x2048xf32, #tpu.memory_space<vmem>>
          %parallel_loop3A_461 = tpu.vector_load_idx %parallel_loop3A_460[%parallel_loop3A_456, %parallel_loop3A_369] : memref<8x2048xf32, #tpu.memory_space<vmem>>[vector<16xi32>, vector<16xi32>], vector<16xf32>,
          %parallel_loop3A_462 = arith.constant 16 : i32
          %parallel_loop3A_463 = arith.muli %parallel_loop3A_365, %parallel_loop3A_462 : i32
          %parallel_loop3A_464 = arith.constant 5 : i32
          %parallel_loop3A_465 = arith.constant 0 : i32
          %parallel_loop3A_466 = arith.constant 0 : i32
          %parallel_loop3A_467 = tpu.memref_slice %run_scoped3A_8[%rem3A_291, %parallel_loop3A_465, %parallel_loop3A_466] : memref<2x8x2048xf32, #tpu.memory_space<vmem>> -> memref<1x8x2048xf32, #tpu.memory_space<vmem>>
          %parallel_loop3A_468 = tpu.memref_squeeze %parallel_loop3A_467 : memref<1x8x2048xf32, #tpu.memory_space<vmem>> -> memref<8x2048xf32, #tpu.memory_space<vmem>>
          %parallel_loop3A_469 = arith.index_cast %parallel_loop3A_464 : i32 to index
          %parallel_loop3A_470 = arith.index_cast %parallel_loop3A_463 : i32 to index
          %parallel_loop3A_471 = tpu.vector_load %parallel_loop3A_468[%parallel_loop3A_469, %parallel_loop3A_470] {strides = array<i32>} : memref<8x2048xf32, #tpu.memory_space<vmem>>, vector<16xf32>,
          tpu.vector_store %parallel_loop3A_468[%parallel_loop3A_469, %parallel_loop3A_470], %parallel_loop3A_461 {strides = array<i32>} : memref<8x2048xf32, #tpu.memory_space<vmem>>, vector<16xf32>,
          %parallel_loop3A_472 = arith.constant 6 : i32
          %parallel_loop3A_473 = vector.broadcast %parallel_loop3A_472 : i32 to vector<16xi32>
          %parallel_loop3A_474 = arith.constant 0 : i32
          %parallel_loop3A_475 = arith.constant 0 : i32
          %parallel_loop3A_476 = tpu.memref_slice %run_scoped3A[%rem3A_289, %parallel_loop3A_474, %parallel_loop3A_475] : memref<4x8x2048xf32, #tpu.memory_space<vmem>> -> memref<1x8x2048xf32, #tpu.memory_space<vmem>>
          %parallel_loop3A_477 = tpu.memref_squeeze %parallel_loop3A_476 : memref<1x8x2048xf32, #tpu.memory_space<vmem>> -> memref<8x2048xf32, #tpu.memory_space<vmem>>
          %parallel_loop3A_478 = tpu.vector_load_idx %parallel_loop3A_477[%parallel_loop3A_473, %parallel_loop3A_369] : memref<8x2048xf32, #tpu.memory_space<vmem>>[vector<16xi32>, vector<16xi32>], vector<16xf32>,
          %parallel_loop3A_479 = arith.constant 16 : i32
          %parallel_loop3A_480 = arith.muli %parallel_loop3A_365, %parallel_loop3A_479 : i32
          %parallel_loop3A_481 = arith.constant 6 : i32
          %parallel_loop3A_482 = arith.constant 0 : i32
          %parallel_loop3A_483 = arith.constant 0 : i32
          %parallel_loop3A_484 = tpu.memref_slice %run_scoped3A_8[%rem3A_291, %parallel_loop3A_482, %parallel_loop3A_483] : memref<2x8x2048xf32, #tpu.memory_space<vmem>> -> memref<1x8x2048xf32, #tpu.memory_space<vmem>>
          %parallel_loop3A_485 = tpu.memref_squeeze %parallel_loop3A_484 : memref<1x8x2048xf32, #tpu.memory_space<vmem>> -> memref<8x2048xf32, #tpu.memory_space<vmem>>
          %parallel_loop3A_486 = arith.index_cast %parallel_loop3A_481 : i32 to index
          %parallel_loop3A_487 = arith.index_cast %parallel_loop3A_480 : i32 to index
          %parallel_loop3A_488 = tpu.vector_load %parallel_loop3A_485[%parallel_loop3A_486, %parallel_loop3A_487] {strides = array<i32>} : memref<8x2048xf32, #tpu.memory_space<vmem>>, vector<16xf32>,
          tpu.vector_store %parallel_loop3A_485[%parallel_loop3A_486, %parallel_loop3A_487], %parallel_loop3A_478 {strides = array<i32>} : memref<8x2048xf32, #tpu.memory_space<vmem>>, vector<16xf32>,
          %parallel_loop3A_489 = arith.constant 7 : i32
          %parallel_loop3A_490 = vector.broadcast %parallel_loop3A_489 : i32 to vector<16xi32>
          %parallel_loop3A_491 = arith.constant 0 : i32
          %parallel_loop3A_492 = arith.constant 0 : i32
          %parallel_loop3A_493 = tpu.memref_slice %run_scoped3A[%rem3A_289, %parallel_loop3A_491, %parallel_loop3A_492] : memref<4x8x2048xf32, #tpu.memory_space<vmem>> -> memref<1x8x2048xf32, #tpu.memory_space<vmem>>
          %parallel_loop3A_494 = tpu.memref_squeeze %parallel_loop3A_493 : memref<1x8x2048xf32, #tpu.memory_space<vmem>> -> memref<8x2048xf32, #tpu.memory_space<vmem>>
          %parallel_loop3A_495 = tpu.vector_load_idx %parallel_loop3A_494[%parallel_loop3A_490, %parallel_loop3A_369] : memref<8x2048xf32, #tpu.memory_space<vmem>>[vector<16xi32>, vector<16xi32>], vector<16xf32>,
          %parallel_loop3A_496 = arith.constant 16 : i32
          %parallel_loop3A_497 = arith.muli %parallel_loop3A_365, %parallel_loop3A_496 : i32
          %parallel_loop3A_498 = arith.constant 7 : i32
          %parallel_loop3A_499 = arith.constant 0 : i32
          %parallel_loop3A_500 = arith.constant 0 : i32
          %parallel_loop3A_501 = tpu.memref_slice %run_scoped3A_8[%rem3A_291, %parallel_loop3A_499, %parallel_loop3A_500] : memref<2x8x2048xf32, #tpu.memory_space<vmem>> -> memref<1x8x2048xf32, #tpu.memory_space<vmem>>
          %parallel_loop3A_502 = tpu.memref_squeeze %parallel_loop3A_501 : memref<1x8x2048xf32, #tpu.memory_space<vmem>> -> memref<8x2048xf32, #tpu.memory_space<vmem>>
          %parallel_loop3A_503 = arith.index_cast %parallel_loop3A_498 : i32 to index
          %parallel_loop3A_504 = arith.index_cast %parallel_loop3A_497 : i32 to index
          %parallel_loop3A_505 = tpu.vector_load %parallel_loop3A_502[%parallel_loop3A_503, %parallel_loop3A_504] {strides = array<i32>} : memref<8x2048xf32, #tpu.memory_space<vmem>>, vector<16xf32>,
          tpu.vector_store %parallel_loop3A_502[%parallel_loop3A_503, %parallel_loop3A_504], %parallel_loop3A_495 {strides = array<i32>} : memref<8x2048xf32, #tpu.memory_space<vmem>>, vector<16xf32>,
        } {sc.loop_unroll_factor = 8 : i64, sc.parallel_access}
        "tpu.trace_stop"() : () -> ()
        %ne3A_294 = arith.cmpi ne, %add3A_201, %add3A_219 : i32
        %or3A_295 = arith.constant false
        %or3A_296 = arith.ori %or3A_295, %ne3A_294 : i1
        %or3A_297 = arith.constant false
        %or3A_298 = arith.ori %or3A_296, %or3A_297 : i1
        %or3A_299 = arith.ori %or3A_298, %eq3A_200 : i1
        %convert_element_type3A_300 = arith.extui %or3A_299 : i1 to i32
        %cond3A_301 = arith.constant 0 : i32
        %cond3A_302 = arith.cmpi ne, %convert_element_type3A_300, %cond3A_301 : i32
        scf.if %cond3A_302 {
        } else {
        }
        %and3A_303 = arith.constant false
        %and3A_304 = arith.andi %or3A_299, %and3A_303 : i1
        %ne3A_305 = arith.cmpi ne, %add3A_201, %add3A_219 : i32
        %or3A_306 = arith.constant false
        %or3A_307 = arith.ori %or3A_306, %ne3A_305 : i1
        %or3A_308 = arith.constant false
        %or3A_309 = arith.ori %or3A_307, %or3A_308 : i1
        %or3A_310 = arith.ori %or3A_309, %eq3A_200 : i1
        %convert_element_type3A_311 = arith.extui %or3A_310 : i1 to i32
        %cond3A_312 = arith.constant 0 : i32
        %cond3A_313 = arith.cmpi ne, %convert_element_type3A_311, %cond3A_312 : i32
        scf.if %cond3A_313 {
          "tpu.trace_start"() <{level = 10 : i32, message = "ep_copy_out"}> : () -> ()
          %rem3A_365 = arith.constant 2 : i32
          %rem3A_366 = arith.remui %scan3A_194, %rem3A_365 : i32
          %mul3A_367 = arith.constant 8 : i32
          %mul3A_368 = arith.muli %mul3A_367, %add3A_201 : i32
          %dma_start3A_369 = arith.constant 0 : i32
          %dma_start3A_370 = arith.constant 0 : i32
          %dma_start3A_371 = tpu.memref_slice %run_scoped3A_8[%rem3A_366, %dma_start3A_369, %dma_start3A_370] : memref<2x8x2048xf32, #tpu.memory_space<vmem>> -> memref<1x8x2048xf32, #tpu.memory_space<vmem>>
          %dma_start3A_372 = tpu.memref_squeeze %dma_start3A_371 : memref<1x8x2048xf32, #tpu.memory_space<vmem>> -> memref<8x2048xf32, #tpu.memory_space<vmem>>
          %dma_start3A_373 = arith.constant 0 : i32
          %dma_start3A_374 = tpu.memref_slice %arg4[%mul3A_368, %dma_start3A_373] : memref<16384x2048xf32, #tpu.memory_space<hbm>> -> memref<8x2048xf32, #tpu.memory_space<hbm>>
          %dma_start3A_375 = tpu.memref_slice %run_scoped3A_9[%rem3A_366] : memref<2x!tpu.dma_semaphore, #tpu.memory_space<semaphore_mem>> -> memref<1x!tpu.dma_semaphore, #tpu.memory_space<semaphore_mem>>
          %dma_start3A_376 = tpu.memref_squeeze %dma_start3A_375 : memref<1x!tpu.dma_semaphore, #tpu.memory_space<semaphore_mem>> -> memref<!tpu.dma_semaphore, #tpu.memory_space<semaphore_mem>>
          %dma_start3A_377 = arith.constant 0 : i32
          %dma_start3A_378 = tpu.memref_slice %arg4[%mul3A_368, %dma_start3A_377] : memref<16384x2048xf32, #tpu.memory_space<hbm>> -> memref<8x2048xf32, #tpu.memory_space<hbm>>
          %dma_start3A_379 = arith.constant 0 : i32
          %dma_start3A_380 = arith.constant 0 : i32
          %dma_start3A_381 = tpu.memref_slice %run_scoped3A_8[%rem3A_366, %dma_start3A_379, %dma_start3A_380] : memref<2x8x2048xf32, #tpu.memory_space<vmem>> -> memref<1x8x2048xf32, #tpu.memory_space<vmem>>
          %dma_start3A_382 = tpu.memref_squeeze %dma_start3A_381 : memref<1x8x2048xf32, #tpu.memory_space<vmem>> -> memref<8x2048xf32, #tpu.memory_space<vmem>>
          tpu.enqueue_dma source(%dma_start3A_382 : memref<8x2048xf32, #tpu.memory_space<vmem>>) target(%dma_start3A_378 : memref<8x2048xf32, #tpu.memory_space<hbm>>) target_semaphore(%dma_start3A_376 : memref<!tpu.dma_semaphore, #tpu.memory_space<semaphore_mem>>)
          "tpu.trace_stop"() : () -> ()
        } else {
        }
        %and3A_314 = arith.constant true
        %and3A_315 = arith.andi %or3A_310, %and3A_314 : i1
        %add3A_316 = arith.constant 1 : i32
        %add3A_317 = arith.addi %scan3A_194, %add3A_316 : i32
        %select_n3A_318 = arith.select %and3A_315, %add3A_317, %scan3A_194 : i32
        %ne3A_319 = arith.cmpi ne, %add3A_201, %add3A_210 : i32
        %or3A_320 = arith.constant false
        %or3A_321 = arith.ori %or3A_320, %ne3A_319 : i1
        %or3A_322 = arith.constant false
        %or3A_323 = arith.ori %or3A_321, %or3A_322 : i1
        %not3A_324 = arith.constant true
        %not3A_325 = arith.xori %eq3A_198, %not3A_324 : i1
        %and3A_326 = arith.andi %or3A_323, %not3A_325 : i1
        %convert_element_type3A_327 = arith.extui %and3A_326 : i1 to i32
        %cond3A_328 = arith.constant 0 : i32
        %cond3A_329 = arith.cmpi ne, %convert_element_type3A_327, %cond3A_328 : i32
        scf.if %cond3A_329 {
        } else {
        }
        %and3A_330 = arith.constant false
        %and3A_331 = arith.andi %and3A_326, %and3A_330 : i1
        %ne3A_332 = arith.cmpi ne, %add3A_201, %add3A_210 : i32
        %or3A_333 = arith.constant false
        %or3A_334 = arith.ori %or3A_333, %ne3A_332 : i1
        %or3A_335 = arith.constant false
        %or3A_336 = arith.ori %or3A_334, %or3A_335 : i1
        %not3A_337 = arith.constant true
        %not3A_338 = arith.xori %eq3A_198, %not3A_337 : i1
        %and3A_339 = arith.andi %or3A_336, %not3A_338 : i1
        %convert_element_type3A_340 = arith.extui %and3A_339 : i1 to i32
        %cond3A_341 = arith.constant 0 : i32
        %cond3A_342 = arith.cmpi ne, %convert_element_type3A_340, %cond3A_341 : i32
        scf.if %cond3A_342 {
          "tpu.trace_start"() <{level = 10 : i32, message = "ep_wait_out"}> : () -> ()
          %rem3A_365 = arith.constant 2 : i32
          %rem3A_366 = arith.remui %scan3A_195, %rem3A_365 : i32
          %mul3A_367 = arith.constant 8 : i32
          %mul3A_368 = arith.muli %mul3A_367, %add3A_210 : i32
          %dma_wait3A_369 = arith.constant 0 : i32
          %dma_wait3A_370 = arith.constant 0 : i32
          %dma_wait3A_371 = tpu.memref_slice %run_scoped3A_8[%rem3A_366, %dma_wait3A_369, %dma_wait3A_370] : memref<2x8x2048xf32, #tpu.memory_space<vmem>> -> memref<1x8x2048xf32, #tpu.memory_space<vmem>>
          %dma_wait3A_372 = tpu.memref_squeeze %dma_wait3A_371 : memref<1x8x2048xf32, #tpu.memory_space<vmem>> -> memref<8x2048xf32, #tpu.memory_space<vmem>>
          %dma_wait3A_373 = arith.constant 0 : i32
          %dma_wait3A_374 = tpu.memref_slice %arg4[%mul3A_368, %dma_wait3A_373] : memref<16384x2048xf32, #tpu.memory_space<hbm>> -> memref<8x2048xf32, #tpu.memory_space<hbm>>
          %dma_wait3A_375 = tpu.memref_slice %run_scoped3A_9[%rem3A_366] : memref<2x!tpu.dma_semaphore, #tpu.memory_space<semaphore_mem>> -> memref<1x!tpu.dma_semaphore, #tpu.memory_space<semaphore_mem>>
          %dma_wait3A_376 = tpu.memref_squeeze %dma_wait3A_375 : memref<1x!tpu.dma_semaphore, #tpu.memory_space<semaphore_mem>> -> memref<!tpu.dma_semaphore, #tpu.memory_space<semaphore_mem>>
          %dma_wait3A_377 = arith.constant 0 : i32
          %dma_wait3A_378 = tpu.memref_slice %arg4[%mul3A_368, %dma_wait3A_377] : memref<16384x2048xf32, #tpu.memory_space<hbm>> -> memref<8x2048xf32, #tpu.memory_space<hbm>>
          %dma_wait3A_379 = arith.constant 0 : i32
          %dma_wait3A_380 = arith.constant 0 : i32
          %dma_wait3A_381 = tpu.memref_slice %run_scoped3A_8[%rem3A_366, %dma_wait3A_379, %dma_wait3A_380] : memref<2x8x2048xf32, #tpu.memory_space<vmem>> -> memref<1x8x2048xf32, #tpu.memory_space<vmem>>
          %dma_wait3A_382 = tpu.memref_squeeze %dma_wait3A_381 : memref<1x8x2048xf32, #tpu.memory_space<vmem>> -> memref<8x2048xf32, #tpu.memory_space<vmem>>
          tpu.wait_dma2 semaphore(%dma_wait3A_376 : memref<!tpu.dma_semaphore, #tpu.memory_space<semaphore_mem>>) src(%dma_wait3A_382 : memref<8x2048xf32, #tpu.memory_space<vmem>>) dst(%dma_wait3A_378 : memref<8x2048xf32, #tpu.memory_space<hbm>>)
          "tpu.trace_stop"() : () -> ()
        } else {
        }
        %and3A_343 = arith.constant true
        %and3A_344 = arith.andi %and3A_339, %and3A_343 : i1
        %add3A_345 = arith.constant 1 : i32
        %add3A_346 = arith.addi %scan3A_195, %add3A_345 : i32
        %select_n3A_347 = arith.select %and3A_344, %add3A_346, %scan3A_195 : i32
        %ne3A_348 = arith.cmpi ne, %add3A_201, %add3A_219 : i32
        %or3A_349 = arith.constant false
        %or3A_350 = arith.ori %or3A_349, %ne3A_348 : i1
        %or3A_351 = arith.constant false
        %or3A_352 = arith.ori %or3A_350, %or3A_351 : i1
        %or3A_353 = arith.ori %or3A_352, %eq3A_200 : i1
        %add3A_354 = arith.constant 1 : i32
        %add3A_355 = arith.addi %scan3A_192, %add3A_354 : i32
        %select_n3A_356 = arith.select %or3A_353, %add3A_355, %scan3A_192 : i32
        %add3A_357 = arith.constant 1 : i32
        %add3A_358 = arith.addi %scan3A_196, %add3A_357 : i32
        %select_n3A_359 = arith.constant true
        %select_n3A_360 = arith.select %select_n3A_359, %add3A_358, %scan3A_196 : i32
        %eq3A_361 = arith.constant 64 : i32
        %eq3A_362 = arith.cmpi eq, %select_n3A_360, %eq3A_361 : i32
        %select_n3A_363 = arith.constant 0 : i32
        %select_n3A_364 = arith.select %eq3A_362, %select_n3A_363, %select_n3A_360 : i32
        scf.yield %while3A_261#2, %select_n3A_356, %while3A_261#0, %select_n3A_318, %select_n3A_347, %select_n3A_364 : i32, i32, i32, i32, i32, i32
      }
      %scan3A_119 = arith.constant 64 : i32
      %sub3A = arith.constant 1 : i32
      %sub3A_120 = arith.subi %scan3A_118#5, %sub3A : i32
      %select_n3A_121 = arith.constant true
      %select_n3A_122 = arith.select %select_n3A_121, %sub3A_120, %scan3A_118#5 : i32
      %eq3A_123 = arith.constant -1 : i32
      %eq3A_124 = arith.cmpi eq, %select_n3A_122, %eq3A_123 : i32
      %select_n3A_125 = arith.constant 63 : i32
      %select_n3A_126 = arith.select %eq3A_124, %select_n3A_125, %select_n3A_122 : i32
      %add3A_127 = arith.addi %select_n3A_126, %mul3A_6 : i32
      %sub3A_128 = arith.constant 1 : i32
      %sub3A_129 = arith.subi %select_n3A_126, %sub3A_128 : i32
      %select_n3A_130 = arith.constant true
      %select_n3A_131 = arith.select %select_n3A_130, %sub3A_129, %select_n3A_126 : i32
      %eq3A_132 = arith.constant -1 : i32
      %eq3A_133 = arith.cmpi eq, %select_n3A_131, %eq3A_132 : i32
      %select_n3A_134 = arith.constant 63 : i32
      %select_n3A_135 = arith.select %eq3A_133, %select_n3A_134, %select_n3A_131 : i32
      %add3A_136 = arith.addi %select_n3A_135, %mul3A_6 : i32
      %add3A_137 = arith.constant 1 : i32
      %add3A_138 = arith.addi %select_n3A_126, %add3A_137 : i32
      %select_n3A_139 = arith.constant true
      %select_n3A_140 = arith.select %select_n3A_139, %add3A_138, %select_n3A_126 : i32
      %eq3A_141 = arith.constant 64 : i32
      %eq3A_142 = arith.cmpi eq, %select_n3A_140, %eq3A_141 : i32
      %select_n3A_143 = arith.constant 0 : i32
      %select_n3A_144 = arith.select %eq3A_142, %select_n3A_143, %select_n3A_140 : i32
      %add3A_145 = arith.addi %select_n3A_144, %mul3A_6 : i32
      %add3A_146 = arith.constant 1 : i32
      %add3A_147 = arith.addi %select_n3A_144, %add3A_146 : i32
      %select_n3A_148 = arith.constant true
      %select_n3A_149 = arith.select %select_n3A_148, %add3A_147, %select_n3A_144 : i32
      %eq3A_150 = arith.constant 64 : i32
      %eq3A_151 = arith.cmpi eq, %select_n3A_149, %eq3A_150 : i32
      %select_n3A_152 = arith.constant 0 : i32
      %select_n3A_153 = arith.select %eq3A_151, %select_n3A_152, %select_n3A_149 : i32
      %add3A_154 = arith.addi %select_n3A_153, %mul3A_6 : i32
      %add3A_155 = arith.constant 1 : i32
      %add3A_156 = arith.addi %select_n3A_153, %add3A_155 : i32
      %select_n3A_157 = arith.constant true
      %select_n3A_158 = arith.select %select_n3A_157, %add3A_156, %select_n3A_153 : i32
      %eq3A_159 = arith.constant 64 : i32
      %eq3A_160 = arith.cmpi eq, %select_n3A_158, %eq3A_159 : i32
      %select_n3A_161 = arith.constant 0 : i32
      %select_n3A_162 = arith.select %eq3A_160, %select_n3A_161, %select_n3A_158 : i32
      %add3A_163 = arith.addi %select_n3A_162, %mul3A_6 : i32
      %add3A_164 = arith.constant 1 : i32
      %add3A_165 = arith.addi %select_n3A_162, %add3A_164 : i32
      %select_n3A_166 = arith.constant true
      %select_n3A_167 = arith.select %select_n3A_166, %add3A_165, %select_n3A_162 : i32
      %eq3A_168 = arith.constant 64 : i32
      %eq3A_169 = arith.cmpi eq, %select_n3A_167, %eq3A_168 : i32
      %select_n3A_170 = arith.constant 0 : i32
      %select_n3A_171 = arith.select %eq3A_169, %select_n3A_170, %select_n3A_167 : i32
      %add3A_172 = arith.addi %select_n3A_171, %mul3A_6 : i32
      "tpu.trace_start"() <{level = 10 : i32, message = "ep_finalize"}> : () -> ()
      %rem3A_173 = arith.constant 2 : i32
      %rem3A_174 = arith.remui %scan3A_118#4, %rem3A_173 : i32
      %mul3A_175 = arith.constant 8 : i32
      %mul3A_176 = arith.muli %mul3A_175, %add3A_127 : i32
      %dma_wait3A = arith.constant 0 : i32
      %dma_wait3A_177 = arith.constant 0 : i32
      %dma_wait3A_178 = tpu.memref_slice %run_scoped3A_8[%rem3A_174, %dma_wait3A, %dma_wait3A_177] : memref<2x8x2048xf32, #tpu.memory_space<vmem>> -> memref<1x8x2048xf32, #tpu.memory_space<vmem>>
      %dma_wait3A_179 = tpu.memref_squeeze %dma_wait3A_178 : memref<1x8x2048xf32, #tpu.memory_space<vmem>> -> memref<8x2048xf32, #tpu.memory_space<vmem>>
      %dma_wait3A_180 = arith.constant 0 : i32
      %dma_wait3A_181 = tpu.memref_slice %arg4[%mul3A_176, %dma_wait3A_180] : memref<16384x2048xf32, #tpu.memory_space<hbm>> -> memref<8x2048xf32, #tpu.memory_space<hbm>>
      %dma_wait3A_182 = tpu.memref_slice %run_scoped3A_9[%rem3A_174] : memref<2x!tpu.dma_semaphore, #tpu.memory_space<semaphore_mem>> -> memref<1x!tpu.dma_semaphore, #tpu.memory_space<semaphore_mem>>
      %dma_wait3A_183 = tpu.memref_squeeze %dma_wait3A_182 : memref<1x!tpu.dma_semaphore, #tpu.memory_space<semaphore_mem>> -> memref<!tpu.dma_semaphore, #tpu.memory_space<semaphore_mem>>
      %dma_wait3A_184 = arith.constant 0 : i32
      %dma_wait3A_185 = tpu.memref_slice %arg4[%mul3A_176, %dma_wait3A_184] : memref<16384x2048xf32, #tpu.memory_space<hbm>> -> memref<8x2048xf32, #tpu.memory_space<hbm>>
      %dma_wait3A_186 = arith.constant 0 : i32
      %dma_wait3A_187 = arith.constant 0 : i32
      %dma_wait3A_188 = tpu.memref_slice %run_scoped3A_8[%rem3A_174, %dma_wait3A_186, %dma_wait3A_187] : memref<2x8x2048xf32, #tpu.memory_space<vmem>> -> memref<1x8x2048xf32, #tpu.memory_space<vmem>>
      %dma_wait3A_189 = tpu.memref_squeeze %dma_wait3A_188 : memref<1x8x2048xf32, #tpu.memory_space<vmem>> -> memref<8x2048xf32, #tpu.memory_space<vmem>>
      tpu.wait_dma2 semaphore(%dma_wait3A_183 : memref<!tpu.dma_semaphore, #tpu.memory_space<semaphore_mem>>) src(%dma_wait3A_189 : memref<8x2048xf32, #tpu.memory_space<vmem>>) dst(%dma_wait3A_185 : memref<8x2048xf32, #tpu.memory_space<hbm>>)
      "tpu.trace_stop"() : () -> ()
      tpu.yield
    }) : () -> ()
    return
  }
}

</mosaic_0001>

<sc_bundles>
// kernel: kernel.3.cloned.1.call-start
scs
__scs_entry_jumppad:
0x0: {  	(pc) =	sbr.rel $0x88, $3  }
0x1: {  	(tag) =	ssettag $0x0;
	lr =	simm.s32 $0x1  }
0x2: {  	[smem:$0x3F9F] =	sst lr;
	_ =	strace $0xD0000000  }
0x3: {  	_ = 	snop  }
0x4: {  	_ = 	snop  }
0x5: {  	_ = 	snop  }
0x6: {  	_ = 	snop  }
0x7: {  	_ = 	snop  }
__scs_overlays_trampoline_lowered:
0x8: {  	[smem:$0x3FAE] =	sst s0  }
0x9: {  	[smem:$0x3FAF] =	sst s1  }
0xa: {  	[smem:$0x3FB0] =	sst s2  }
0xb: {  	[smem:$0x3FB1] =	sst s3  }
0xc: {  	[smem:$0x3FB2] =	sst s4  }
0xd: {  	[smem:$0x3FB3] =	sst s5  }
0xe: {  	[smem:$0x3FB4] =	sst s6  }
0xf: {  	[smem:$0x3FB5] =	sst s7  }
0x10: {  	[smem:$0x3FB6] =	sst s8  }
0x11: {  	[smem:$0x3FB7] =	sst s9;
	s0 =	simm.s32 @!p0 $0x0  }
0x12: {  	s1 =	sld [smem:$0x3F9D];
	s0 =	simm.s32 @p0 $0x1  }
0x13: {  	[smem:$0x3FB8] =	sst s0;
	s0 =	simm.s32 @!p1 $0x0  }
0x14: {  	s2 =	sld [smem:$0x3F9C];
	s0 =	simm.s32 @p1 $0x1  }
0x15: {  	[smem:$0x3FB9] =	sst s0;
	s0 =	simm.s32 @!p2 $0x0  }
0x16: {  	s3 =	sld [smem:$0x3FDB];
	s0 =	simm.s32 @p2 $0x1  }
0x17: {  	s4 =	simm.s32 $0x1BF5;
	[smem:$0x3FBB] =	sst s0  }
0x18: {  	s0 =	sld [smem:$0x3F9E];
	_ =	swait.ge [sflag:s4], $0x0  }
0x19: {  	s7 =	sld [smem:$0x3F9F]  }
0x1a: {  	s8 =	sadd.s32 $0xFFFFE003, lr  }
0x1b: {  	s9 =	sadd.s32 $0xFFFFFEF7, lr;
	s5 =	simm.s32 $0xFFFFFFFF;
	p2 =	slt.u32 s8, $0xFFFFF086  }
0x1c: {  	p1 =	slt.u32 s9, $0xF7A;
	s5 =	simm.s32 @!p2 $0x0  }
0x1d: {  	s5 =	simm.s32 @p1 $0x1;
	p0 =	seq.s32 s7, s2  }
0x1e: {  	s7 =	smul.u32 @!p0 $0xF7A, s2;
	p2 =	seq.s32 @!p0 s5, $0x0  }
0x1f: {  	s9 =	smul.u32 $0xF7A, s1;
	s8 =	simm.s32 @!p0 $0x1BF5;
	p2 =	por !p2, p0  }
0x20: {  	[sflag:s8] =	ssyncset.s32 @!p0 $0xFFFFF086;
	s6 =	sadd.s32 @!p0 s3, s7;
	s7 =	simm.s32 @!p0 $0x108  }
0x21: {  	s3 =	sadd.s32 s3, s9;
	s6 =	sadd.s32 @!p0 $0x88, s6;
	s7 =	simm.s32 @p2 $0x1082  }
0x22: {  	[simem:s7], [sflag:s8] =	dma.local @!p0 [hbm:s6], $0xF7A  }
0x23: {  	s9 =	sor.u32 $0xD0000000, s2;
	s6 =	simm.s32 $0x108;
	_ =	swait.ge @!p0 [sflag:s8], $0x0  }
0x24: {  	s3 =	sadd.s32 $0x88, s3;
	s6 =	simm.s32 @!p1 $0x1082;
	[sflag:s4] =	ssyncset.s32 $0xFFFFF086  }
0x25: {  	[simem:s6], [sflag:s4] =	dma.local [hbm:s3], $0xF7A  }
0x26: {  	[smem:$0x3F9F] =	sst s1;
	(tag) =	ssettag s2;
	_ =	strace s9  }
0x27: {  	s1 =	sld [smem:$0x3FAF]  }
0x28: {  	s2 =	sld [smem:$0x3FB0]  }
0x29: {  	s4 =	sld [smem:$0x3FB2]  }
0x2a: {  	p0 =	seq.s32 s5, $0x0;
	s5 =	sld [smem:$0x3FB3]  }
0x2b: {  	s6 =	sld [smem:$0x3FB4]  }
0x2c: {  	s7 =	sld [smem:$0x3FB5]  }
0x2d: {  	s3 =	simm.s32 $0x108;
	s8 =	sld [smem:$0x3FB6]  }
0x2e: {  	s3 =	simm.s32 @!p0 $0x1082;
	s9 =	sld [smem:$0x3FB7]  }
0x2f: {  	lr =	sadd.s32 s0, s3;
	s0 =	sld [smem:$0x3FAE]  }
0x30: {  	s3 =	sld [smem:$0x3FB1]  }
0x31: {  	[smem:$0x3FBA] =	sst s10  }
0x32: {  	s10 =	sld [smem:$0x3FB8];
	_ =	sdelay $0x3  }
0x33: {  	p0 =	seq.s32 s10, $0x1;
	s10 =	sld [smem:$0x3FBA];
	_ =	sdelay $0x3  }
0x34: {  	[smem:$0x3FBA] =	sst s10  }
0x35: {  	s10 =	sld [smem:$0x3FB9];
	_ =	sdelay $0x3  }
0x36: {  	p1 =	seq.s32 s10, $0x1;
	s10 =	sld [smem:$0x3FBA];
	_ =	sdelay $0x3  }
0x37: {  	[smem:$0x3FBA] =	sst s10  }
0x38: {  	s10 =	sld [smem:$0x3FBB]  }
0x39: {  	_ = 	snop;
	(pc) =	sbr.ind lr, $3  }
0x3a: {  	_ = 	snop  }
0x3b: {  	_ = 	snop  }
0x3c: {  	p2 =	seq.s32 s10, $0x1;
	s10 =	sld [smem:$0x3FBA]  }
0x3d: {  	_ =	shalt  }
0x3e: {  	_ =	shalt  }
0x3f: {  	_ =	shalt  }
0x40: {  	_ =	shalt  }
0x41: {  	_ =	shalt  }
0x42: {  	_ =	shalt  }
0x43: {  	_ =	shalt  }
0x44: {  	_ =	shalt  }
0x45: {  	_ =	shalt  }
0x46: {  	_ =	shalt  }
0x47: {  	_ =	shalt  }
0x48: {  	_ =	shalt  }
0x49: {  	_ =	shalt  }
0x4a: {  	_ =	shalt  }
0x4b: {  	_ =	shalt  }
0x4c: {  	_ =	shalt  }
0x4d: {  	_ =	shalt  }
0x4e: {  	_ =	shalt  }
0x4f: {  	_ =	shalt  }
0x50: {  	_ =	shalt  }
0x51: {  	_ =	shalt  }
0x52: {  	_ =	shalt  }
0x53: {  	_ =	shalt  }
0x54: {  	_ =	shalt  }
0x55: {  	_ =	shalt  }
0x56: {  	_ =	shalt  }
0x57: {  	_ =	shalt  }
0x58: {  	_ =	shalt  }
0x59: {  	_ =	shalt  }
0x5a: {  	_ =	shalt  }
0x5b: {  	_ =	shalt  }
0x5c: {  	_ =	shalt  }
0x5d: {  	_ =	shalt  }
0x5e: {  	_ =	shalt  }
0x5f: {  	_ =	shalt  }
0x60: {  	_ =	shalt  }
0x61: {  	_ =	shalt  }
0x62: {  	_ =	shalt  }
0x63: {  	_ =	shalt  }
0x64: {  	_ =	shalt  }
0x65: {  	_ =	shalt  }
0x66: {  	_ =	shalt  }
0x67: {  	_ =	shalt  }
0x68: {  	_ =	shalt  }
0x69: {  	_ =	shalt  }
0x6a: {  	_ =	shalt  }
0x6b: {  	_ =	shalt  }
0x6c: {  	_ =	shalt  }
0x6d: {  	_ =	shalt  }
0x6e: {  	_ =	shalt  }
0x6f: {  	_ =	shalt  }
0x70: {  	_ =	shalt  }
0x71: {  	_ =	shalt  }
0x72: {  	_ =	shalt  }
0x73: {  	_ =	shalt  }
0x74: {  	_ =	shalt  }
0x75: {  	_ =	shalt  }
0x76: {  	_ =	shalt  }
0x77: {  	_ =	shalt  }
0x78: {  	_ =	shalt  }
0x79: {  	_ =	shalt  }
0x7a: {  	_ =	shalt  }
0x7b: {  	_ =	shalt  }
0x7c: {  	_ =	shalt  }
0x7d: {  	_ =	shalt  }
0x7e: {  	_ =	shalt  }
0x7f: {  	_ =	shalt  }
0x80: {  	_ =	shalt  }
0x81: {  	_ =	shalt  }
0x82: {  	_ =	shalt  }
0x83: {  	_ =	shalt  }
0x84: {  	_ =	shalt  }
0x85: {  	_ =	shalt  }
0x86: {  	_ =	shalt  }
0x87: {  	_ =	shalt  }
.Lfunc_end0:
.L_simem_size_0:
called_computation_lowered:
.L_overlay_start_0:
0x88: {  	s2 =	sld [smem:$0x3FD9]  }
0x89: {  	s3 =	sld [smem:$0x3FFE];
	_ =	sdelay $0x1  }
0x8a: {  	s1 =	srdreg.scid  }
0x8b: {  	s0 =	sand.u32 $0x1, s1  }
0x8c: {  	s15 =	sshll.u32 s0, $0xA;
	s2 =	sadd.s32 s3, s2  }
0x8d: {  	s2 =	sadd.s32 s2, s15  }
0x8e: {  	[smem:$0x3FC6] =	sst s2  }
0x8f: {  	_ = 	snop  }
0x90: {  	s2 =	sld [smem:$0x3FD0];
	_ =	sdelay $0x1  }
0x91: {  	s16 =	sld [smem:$0x3FC9]  }
0x92: {  	s5 =	simm.s32 $0xA;
	s6 =	simm.s32 $0x10;
	s4 =	sld [smem:$0x3FC8]  }
0x93: {  	[smem:s6], [sflag:s5] =	dma.local [hbm:s2], $0x1  }
0x94: {  	_ =	swait.eq [sflag:s5], $0x1  }
0x95: {  	[sflag:s5] =	ssyncset.done $0x0  }
0x96: {  	[sflag:s5] =	ssyncadd.s32 $0xFFFFFFFF  }
0x97: {  	s17 =	sld [smem:$0x10];
	(tm) =	ssettm $0x1  }
0x98: {  	s18 =	sld [smem:$0x3FFB];
	_ =	sdelay $0x3  }
0x99: {  	_ =	strace s18  }
0x9a: {  	s5 =	sld [smem:$0x3FFC];
	_ =	sdelay $0x3  }
0x9b: {  	_ =	strace s5  }
0x9c: {  	s5 =	sld [smem:$0x3FFD];
	_ =	sdelay $0x3  }
0x9d: {  	_ =	strace s5  }
0x9e: {  	_ =	strace $0x8FFFFFFF  }
0x9f: {  	s19 =	sld [smem:$0x3FDB];
	_ =	sdelay $0x1  }
0xa0: {  	s20 =	simm.s32 $_scs_section_size  }
0xa1: {  	s7 =	simm.s32 $_size__tile_overlayer_lowered;
	s8 =	simm.s32 $_tile_overlayer_lowered  }
0xa2: {  	s23 =	simm.s32 $0x1BFF;
	s22 =	sshll.u32 s8, $0x1;
	s5 =	sadd.s32 s20, s19  }
0xa3: {  	s9 =	simm.s32 $0x0;
	s21 =	sshll.u32 s7, $0x1;
	s7 =	sadd.s32 s22, s5  }
0xa4: {  	[timem:s9], [sflag:s23] =	dma.local [hbm:s7], s21  }
0xa5: {  	_ =	swait.ge [sflag:s23], s21  }
0xa6: {  	s6 =	ssub.s32 $0x0, s21;
	[sflag:s23] =	ssyncset.done $0x0  }
0xa7: {  	[sflag:s23] =	ssyncadd.s32 s6;
	_ =	sdelay $0x1  }
0xa8: {  	s24 =	simm.s32 $0x1B8B  }
0xa9: {  	_ =	swait.ge [sflag:s24], $0x1  }
0xaa: {  	[sflag:s24] =	ssyncset.done $0x0  }
0xab: {  	s25 =	simm.s32 $0x1B8E;
	[sflag:s24] =	ssyncadd.s32 $0xFFFFFFFF  }
0xac: {  	s26 =	simm.s32 $execute0_lowered;
	[smem:$0x3FD2] =	sst s25  }
0xad: {  	s6 =	sshll.u32 s26, $0x1;
	_ =	strace $0x80000046;
	[dreg:$0x1] =	wrdreg $0xFFFFFFFF  }
0xae: {  	s28 =	simm.s32 $_size_execute0_lowered;
	s5 =	sadd.s32 s5, s6;
	[dreg:$0x0] =	wrdreg $0x0  }
0xaf: {  	s6 =	sshll.u32 s28, $0x1;
	[dreg:$0x2] =	wrdreg s5  }
0xb0: {  	[dreg:$0x3] =	wrdreg s6  }
0xb1: {  	[dreg:$0x4] =	wrdreg $0xC0  }
0xb2: {  	_ =	task [dreg:s9], $0x5FFFF  }
0xb3: {  	[dreg:$0x1] =	wrdreg $0xFFFFFFFF  }
0xb4: {  	[dreg:$0x0] =	wrdreg $0x60  }
0xb5: {  	[dreg:$0x2] =	wrdreg s16  }
0xb6: {  	[dreg:$0x3] =	wrdreg s4  }
0xb7: {  	[dreg:$0x4] =	wrdreg s17  }
0xb8: {  	[dreg:$0x5] =	wrdreg $0x9  }
0xb9: {  	_ =	task.clear_ibuf [dreg:s9], $0x6FFFF;
	_ =	strace $0x90000046  }
0xba: {  	s29 =	simm.s32 $0x9;
	_ =	strace $0x80000050  }
0xbb: {  	_ =	swait.ge [sflag:s29], $0x1  }
0xbc: {  	[sflag:s29] =	ssyncadd.s32 $0xFFFFFFFF  }
0xbd: {  	_ =	strace $0x90000050  }
0xbe: {  	_ =	sfence  }
0xbf: {  	s30 =	sld [smem:$0x0];
	_ =	sdelay $0x2  }
0xc0: {  	s31 =	sshll.u32 s1, $0xD;
	s1 =	sshrl.u32 s1, $0x2  }
0xc1: {  	s3 =	sand.u32 $0x4000, s31;
	s1 =	sadd.s32 s1, s30  }
0xc2: {  	s0 =	sor.u32 s3, s0;
	s1 =	sshll.u32 s1, $0x11  }
0xc3: {  	s0 =	sor.u32 s1, s0  }
0xc4: {  	s0 =	sadd.s32 $0x8F2B, s0  }
0xc5: {  	[sflag:s0] =	ssyncadd.remote.s32 $0x1  }
0xc6: {  	_ =	sfence.sel $0xFFFF  }
0xc7: {  	[dreg:$0x0] =	wrdreg $0xFFFFFFFF;
	(pc) =	sbr.abs _section_cstart, $3  }
0xc8: {  	[dreg:$0x1] =	wrdreg $0xFFFFFFFF  }
0xc9: {  	_ =	task.clear_ibuf [dreg:s9], $0x2FFFF;
	_ =	strace $0x9FFFFFFF  }
0xca: {  	(tm) =	ssettm $0x7FFFFFFF  }
0xcb: {  	_ =	shalt  }
tec
execute0_lowered:
.L_overlay_start_1:
0x0: {  	(tag) =	ssettag $0x1  }
0x1: {  	s1 =	rddreg [dreg:$0x0]  }
0x2: {  	s3 =	rddreg [dreg:$0x2]  }
0x3: {  	s0 =	srdreg.scid;
	s5 =	simm.s32 $0x0;
	s7 =	stileid.u32  }
0x4: {  	s12 =	simm.s32 $0x1;
	s13 =	simm.s32 $0x800;
	s14 =	simm.s32 $0x4800  }
0x5: {  	s15 =	simm.s32 $0x8800;
	s16 =	simm.s32 $0x7;
	s17 =	simm.s32 $0x0  }
0x6: {  	s0 =	sand.u32 $0x1, s0;
	[smem:$0x7FF] =	sst s5;
	s9 =	sshll.u32 s7, $0x6  }
0x7: {  	s2 =	ssub.s32 $0x2, s0;
	s4 =	sshll.u32 s0, $0x4;
	s0 =	sshll.u32 s0, $0xA  }
0x8: {  	s6 =	sshrl.u32 s2, $0x1;
	s4 =	sor.u32 s7, s4;
	s0 =	sor.u32 s9, s0  }
0x9: {  	s2 =	ssub.s32 s2, s6;
	s6 =	sshll.u32 s4, $0x6;
	s4 =	sshll.u32 s4, $0x11  }
0xa: {  	_ =	strace $0x80000047;
	s11 =	sor.u32 $0x1, s0;
	s7 =	sadd.s32 s1, s4  }
0xb: {  	s8 =	smax.u32 s2, $0x1;
	s9 =	sadd.s32 $0x800, s7;
	s10 =	sadd.s32 $0x1000, s7  }
.LBB2_1:
0xc: {  	s0 =	rddreg [dreg:$0x1]  }
0xd: {  	[tilespmem:s5], [sflag:$0x1] =	stream.linear.gather [hbm4b:s0+s5], $0x800, $0x38;
	[tilespmem:$0x18800] =	vst v63  }
0xe: {  	_ =	swait.ge [sflag:s12], $0x800  }
0xf: {  	[sflag:s12] =	ssyncset.done $0x0  }
0x10: {  	[sflag:s12] =	ssyncadd.s32 $0xFFFFF800  }
0x11: {  	_ =	strace $0x80000048  }
0x12: {  	[tilespmem:s13], [sflag:$0x2] =	stream.linear.gather [hbm4b:s7+s5], $0x4000, $0x200038;
	[tilespmem:$0x18800] =	vst v63  }
0x13: {  	_ =	strace $0x90000048  }
0x14: {  	s18 =	simm.s32 $0x3;
	_ =	strace $0x80000049  }
0x15: {  	[tilespmem:s14], [sflag:$0x3] =	stream.linear.gather [hbm4b:s9+s5], $0x4000, $0x200038;
	[tilespmem:$0x18800] =	vst v63  }
0x16: {  	s23 =	simm.s32 $0x2;
	s24 =	simm.s32 $0x0;
	_ =	strace $0x90000049  }
0x17: {  	s19 =	simm.s32 $0x0;
	s20 =	simm.s32 $0x0;
	_ =	strace $0x8000004A  }
0x18: {  	[tilespmem:s15], [sflag:$0x4] =	stream.linear.gather [hbm4b:s10+s5], $0x4000, $0x200038;
	[tilespmem:$0x18800] =	vst v63  }
0x19: {  	s21 =	simm.s32 $0x0;
	s22 =	simm.s32 $0x0;
	_ =	strace $0x9000004A  }
.LBB2_2:
0x1a: {  	s0 =	sadd.s32 $0x4, s21;
	p0 =	sgt.s32 s23, $0x3E  }
0x1b: {  	p1 =	sge.u32 @!p0 s18, s0  }
0x1c: {  	p1 =	por p0, p1  }
.Ltmp0:
0x1d: {  	_ = 	snop;
	(pc) =	sbr.rel @p1 .LBB2_3-.Ltmp0, $1  }
0x1e: {  	_ =	sdelay $0x3  }
0x1f: {  	s2 =	sadd.s32 s23, s11  }
0x20: {  	s2 =	sshll.u32 s2, $0xB  }
.LBB2_5:
0x21: {  	s4 =	sand.u32 $0x3, s18;
	s18 =	sadd.s32 $0x1, s18;
	p0 =	sgt.s32 s23, $0x3D  }
0x22: {  	p1 =	slt.u32 @!p0 s18, s0  }
0x23: {  	p1 =	por p0, !p1  }
.Ltmp1:
0x24: {  	_ = 	snop;
	(pc) =	sbr.rel @!p1 .LBB2_5-.Ltmp1, $4  }
0x25: {  	s26 =	sand.u32 $0x1FFFF800, s2  }
0x26: {  	s23 =	sadd.s32 $0x1, s23;
	s2 =	sadd.s32 $0x800, s2;
	s25 =	sshll.u32 s4, $0xE  }
0x27: {  	s4 =	sadd.s32 $0x2, s4;
	s26 =	sadd.s32 s1, s26;
	s25 =	sor.u32 $0x800, s25  }
0x28: {  	[tilespmem:s25], [sflag:s4] =	stream.linear.gather [hbm4b:s26+s5], $0x4000, $0x38;
	[tilespmem:$0x18800] =	vst v63  }
.Ltmp2:
0x29: {  	(pc) =	sbr.rel .LBB2_7-.Ltmp2, $2  }
0x2a: {  	_ =	sdelay $0x2  }
0x2b: {  	s23 =	smov.u32 @p0 s23;
	s18 =	smov.u32 @p0 s18  }
.LBB2_3:
0x2c: {  	s23 =	smov.u32 @p0 s23;
	s18 =	smov.u32 @p0 s18  }
.LBB2_7:
0x2d: {  	s0 =	sand.u32 $0x3, s21  }
0x2e: {  	_ =	strace $0x8000004B;
	s0 =	sadd.s32 $0x2, s0  }
0x2f: {  	_ =	swait.ge [sflag:s0], $0x4000  }
0x30: {  	[sflag:s0] =	ssyncset.done $0x0  }
0x31: {  	[sflag:s0] =	ssyncadd.s32 $0xFFFFC000  }
0x32: {  	_ =	strace $0x9000004B  }
0x33: {  	s4 =	simm.s32 $0x40;
	_ =	strace $0x8000004C  }
0x34: {  	v0 =	vld [tilespmem:s4+$0x30];
	_ =	sdelay $0x2  }
0x35: {  	v1 =	vld [tilespmem:s4+$0xFFFFFFD0]  }
0x36: {  	v3 =	vld [tilespmem:s4+$0xFFFFFFE0]  }
0x37: {  	v4 =	vld [tilespmem:s4+$0xFFFFFFC0];
	v2 =	vshll.u32 v0, $0x3  }
0x38: {  	v0 =	vand.u32 $0x7F, v0;
	v2 =	vand.u32 $0xFFFFFC00, v2  }
0x39: {  	v5 =	vor.u32 v0, v2  }
0x3a: {  	v7 =	vld [tilespmem:s4+$0x10];
	v0 =	vshll.u32 v1, $0x3  }
0x3b: {  	s2 =	sshll.u32 s21, $0xE;
	v2 =	vld [tilespmem:s4+$0xFFFFFFF0];
	v8 =	vand.u32 $0xFFFFFC00, v0;
	v0 =	vshll.u32 v3, $0x3  }
0x3c: {  	s2 =	sand.u32 $0xC000, s2;
	v6 =	vld [tilespmem:s4+$0x0];
	v9 =	vand.u32 $0xFFFFFC00, v0;
	v0 =	vshll.u32 v4, $0x3  }
0x3d: {  	s26 =	sor.u32 $0x800, s2;
	v12 =	vld [tilespmem:s4+$0x20];
	v14 =	vand.u32 $0x7F, v3;
	v4 =	vand.u32 $0x7F, v4;
	v0 =	vand.u32 $0xFFFFFC00, v0  }
0x3e: {  	v1 =	vand.u32 $0x7F, v1;
	v11 =	vor.u32 $0x80, v5;
	v0 =	vor.u32 v4, v0;
	v10 =	vld.idx.msk [tilespmem:v5+s26+$0x0], $0xffff  }
0x3f: {  	v3 =	vor.u32 v1, v8;
	v1 =	vor.u32 v14, v9;
	v9 =	vshll.u32 v7, $0x3  }
0x40: {  	s25 =	sand.u32 $0x1, s20;
	v7 =	vand.u32 $0x7F, v7;
	v9 =	vand.u32 $0xFFFFFC00, v9;
	v13 =	vshll.u32 v2, $0x3  }
0x41: {  	s4 =	sshll.u32 s25, $0xE;
	v2 =	vand.u32 $0x7F, v2;
	v4 =	vand.u32 $0xFFFFFC00, v13;
	v13 =	vshll.u32 v6, $0x3  }
0x42: {  	s28 =	sor.u32 $0x10A00, s4;
	v6 =	vand.u32 $0x7F, v6;
	v8 =	vand.u32 $0xFFFFFC00, v13;
	v4 =	vor.u32 v2, v4  }
0x43: {  	v2 =	vor.u32 v6, v8;
	v8 =	vshll.u32 v12, $0x3;
	[tilespmem:s28+$0xFFFFFE70] =	vst v10;
	v10 =	vor.u32 v7, v9;
	v7 =	vld.idx.msk [tilespmem:v0+s26+$0x0], $0xffff  }
0x44: {  	v8 =	vand.u32 $0xFFFFFC00, v8;
	v9 =	vand.u32 $0x7F, v12;
	v12 =	vld.idx.msk [tilespmem:v3+s26+$0x0], $0xffff  }
0x45: {  	v6 =	vld.idx.msk [tilespmem:v11+s26+$0x0], $0xffff;
	v11 =	vor.u32 v9, v8  }
0x46: {  	v8 =	vld.idx.msk [tilespmem:v1+s26+$0x0], $0xffff;
	v9 =	vor.u32 $0x80, v0  }
0x47: {  	v13 =	vor.u32 $0x100, v5;
	v14 =	vld.idx.msk [tilespmem:v4+s26+$0x0], $0xffff  }
0x48: {  	v15 =	vor.u32 $0x80, v3;
	v16 =	vld.idx.msk [tilespmem:v2+s26+$0x0], $0xffff;
	[tilespmem:s28+$0xFFFFFE00] =	vst v7  }
0x49: {  	v17 =	vor.u32 $0x80, v1;
	v18 =	vld.idx.msk [tilespmem:v10+s26+$0x0], $0xffff;
	[tilespmem:s28+$0xFFFFFE10] =	vst v12  }
0x4a: {  	[tilespmem:s28+$0xFFFFFEF0] =	vst v6;
	v6 =	vor.u32 $0x80, v4;
	v12 =	vld.idx.msk [tilespmem:v11+s26+$0x0], $0xffff  }
0x4b: {  	v19 =	vor.u32 $0x80, v10;
	v9 =	vld.idx.msk [tilespmem:v9+s26+$0x0], $0xffff;
	[tilespmem:s28+$0xFFFFFE20] =	vst v8  }
0x4c: {  	v7 =	vld.idx.msk [tilespmem:v13+s26+$0x0], $0xffff;
	v13 =	vor.u32 $0x80, v2;
	[tilespmem:s28+$0xFFFFFE30] =	vst v14  }
0x4d: {  	v15 =	vld.idx.msk [tilespmem:v15+s26+$0x0], $0xffff;
	v14 =	vor.u32 $0x80, v11;
	[tilespmem:s28+$0xFFFFFE40] =	vst v16  }
0x4e: {  	v8 =	vor.u32 $0x180, v5;
	v17 =	vld.idx.msk [tilespmem:v17+s26+$0x0], $0xffff;
	[tilespmem:s28+$0xFFFFFE50] =	vst v18  }
0x4f: {  	v16 =	vor.u32 $0x100, v0;
	v6 =	vld.idx.msk [tilespmem:v6+s26+$0x0], $0xffff;
	[tilespmem:s28+$0xFFFFFE60] =	vst v12  }
0x50: {  	v18 =	vor.u32 $0x100, v3;
	[tilespmem:s28+$0xFFFFFE80] =	vst v9;
	v9 =	vld.idx.msk [tilespmem:v19+s26+$0x0], $0xffff  }
0x51: {  	v13 =	vld.idx.msk [tilespmem:v13+s26+$0x0], $0xffff;
	[tilespmem:s28+$0xFFFFFF70] =	vst v7;
	v7 =	vor.u32 $0x100, v1  }
0x52: {  	v12 =	vor.u32 $0x100, v4;
	[tilespmem:s28+$0xFFFFFE90] =	vst v15;
	v14 =	vld.idx.msk [tilespmem:v14+s26+$0x0], $0xffff  }
0x53: {  	[tilespmem:s28+$0xFFFFFEA0] =	vst v17;
	v17 =	vor.u32 $0x100, v10;
	v8 =	vld.idx.msk [tilespmem:v8+s26+$0x0], $0xffff  }
0x54: {  	v19 =	vor.u32 $0x100, v2;
	v16 =	vld.idx.msk [tilespmem:v16+s26+$0x0], $0xffff;
	[tilespmem:s28+$0xFFFFFEB0] =	vst v6  }
0x55: {  	v15 =	vor.u32 $0x200, v5;
	v18 =	vld.idx.msk [tilespmem:v18+s26+$0x0], $0xffff;
	[tilespmem:s28+$0xFFFFFED0] =	vst v9  }
0x56: {  	v6 =	vor.u32 $0x100, v11;
	v7 =	vld.idx.msk [tilespmem:v7+s26+$0x0], $0xffff;
	[tilespmem:s28+$0xFFFFFEC0] =	vst v13  }
0x57: {  	v13 =	vor.u32 $0x180, v0;
	v12 =	vld.idx.msk [tilespmem:v12+s26+$0x0], $0xffff;
	[tilespmem:s28+$0xFFFFFEE0] =	vst v14  }
0x58: {  	v14 =	vld.idx.msk [tilespmem:v17+s26+$0x0], $0xffff;
	[tilespmem:s28+$0xFFFFFFF0] =	vst v8;
	v8 =	vor.u32 $0x180, v3  }
0x59: {  	v17 =	vor.u32 $0x180, v4;
	v19 =	vld.idx.msk [tilespmem:v19+s26+$0x0], $0xffff  }
0x5a: {  	[tilespmem:s28+$0xFFFFFF00] =	vst v16;
	v9 =	vld.idx.msk [tilespmem:v15+s26+$0x0], $0xffff;
	v15 =	vor.u32 $0x180, v1  }
0x5b: {  	v16 =	vor.u32 $0x280, v5;
	[tilespmem:s28+$0xFFFFFF10] =	vst v18;
	v6 =	vld.idx.msk [tilespmem:v6+s26+$0x0], $0xffff  }
0x5c: {  	v18 =	vor.u32 $0x180, v2;
	v13 =	vld.idx.msk [tilespmem:v13+s26+$0x0], $0xffff;
	[tilespmem:s28+$0xFFFFFF20] =	vst v7  }
0x5d: {  	v7 =	vor.u32 $0x180, v10;
	[tilespmem:s28+$0xFFFFFF30] =	vst v12;
	v8 =	vld.idx.msk [tilespmem:v8+s26+$0x0], $0xffff  }
0x5e: {  	v12 =	vor.u32 $0x180, v11;
	[tilespmem:s28+$0xFFFFFF50] =	vst v14;
	v17 =	vld.idx.msk [tilespmem:v17+s26+$0x0], $0xffff  }
0x5f: {  	v15 =	vld.idx.msk [tilespmem:v15+s26+$0x0], $0xffff;
	[tilespmem:s28+$0x70] =	vst v9;
	v9 =	vor.u32 $0x200, v0  }
0x60: {  	[tilespmem:s28+$0xFFFFFF40] =	vst v19;
	v19 =	vor.u32 $0x200, v3;
	v16 =	vld.idx.msk [tilespmem:v16+s26+$0x0], $0xffff  }
0x61: {  	v14 =	vld.idx.msk [tilespmem:v18+s26+$0x0], $0xffff;
	v18 =	vor.u32 $0x200, v1;
	[tilespmem:s28+$0xFFFFFF60] =	vst v6  }
0x62: {  	v6 =	vor.u32 $0x300, v5;
	[tilespmem:s28+$0xFFFFFF80] =	vst v13;
	v7 =	vld.idx.msk [tilespmem:v7+s26+$0x0], $0xffff  }
0x63: {  	v13 =	vor.u32 $0x200, v4;
	[tilespmem:s28+$0xFFFFFF90] =	vst v8;
	v8 =	vld.idx.msk [tilespmem:v12+s26+$0x0], $0xffff  }
0x64: {  	v12 =	vor.u32 $0x200, v2;
	[tilespmem:s28+$0xFFFFFFB0] =	vst v17;
	v9 =	vld.idx.msk [tilespmem:v9+s26+$0x0], $0xffff  }
0x65: {  	[tilespmem:s28+$0xFFFFFFA0] =	vst v15;
	v15 =	vor.u32 $0x200, v10;
	v19 =	vld.idx.msk [tilespmem:v19+s26+$0x0], $0xffff  }
0x66: {  	[tilespmem:s28+$0xF0] =	vst v16;
	v16 =	vor.u32 $0x200, v11;
	v18 =	vld.idx.msk [tilespmem:v18+s26+$0x0], $0xffff  }
0x67: {  	v17 =	vor.u32 $0x280, v0;
	[tilespmem:s28+$0xFFFFFFC0] =	vst v14;
	v6 =	vld.idx.msk [tilespmem:v6+s26+$0x0], $0xffff  }
0x68: {  	v5 =	vor.u32 $0x380, v5;
	v13 =	vld.idx.msk [tilespmem:v13+s26+$0x0], $0xffff;
	[tilespmem:s28+$0xFFFFFFD0] =	vst v7  }
0x69: {  	v7 =	vor.u32 $0x280, v3;
	v12 =	vld.idx.msk [tilespmem:v12+s26+$0x0], $0xffff;
	[tilespmem:s28+$0xFFFFFFE0] =	vst v8  }
0x6a: {  	v8 =	vor.u32 $0x280, v1;
	[tilespmem:s28+$0x0] =	vst v9;
	v9 =	vld.idx.msk [tilespmem:v15+s26+$0x0], $0xffff  }
0x6b: {  	v14 =	vor.u32 $0x280, v4;
	[tilespmem:s28+$0x10] =	vst v19;
	v15 =	vld.idx.msk [tilespmem:v16+s26+$0x0], $0xffff  }
0x6c: {  	v16 =	vor.u32 $0x280, v2;
	v17 =	vld.idx.msk [tilespmem:v17+s26+$0x0], $0xffff;
	[tilespmem:s28+$0x170] =	vst v6  }
0x6d: {  	[tilespmem:s28+$0x20] =	vst v18;
	v6 =	vor.u32 $0x280, v10;
	v5 =	vld.idx.msk [tilespmem:v5+s26+$0x0], $0xffff  }
0x6e: {  	v18 =	vor.u32 $0x280, v11;
	v7 =	vld.idx.msk [tilespmem:v7+s26+$0x0], $0xffff;
	[tilespmem:s28+$0x30] =	vst v13  }
0x6f: {  	v13 =	vor.u32 $0x300, v0;
	v8 =	vld.idx.msk [tilespmem:v8+s26+$0x0], $0xffff;
	[tilespmem:s28+$0x40] =	vst v12  }
0x70: {  	v12 =	vor.u32 $0x300, v3;
	v19 =	vld.idx.msk [tilespmem:v14+s26+$0x0], $0xffff;
	[tilespmem:s28+$0x50] =	vst v9  }
0x71: {  	v9 =	vor.u32 $0x300, v1;
	v20 =	vld.idx.msk [tilespmem:v16+s26+$0x0], $0xffff;
	[tilespmem:s28+$0x60] =	vst v15  }
0x72: {  	v21 =	vor.u32 $0x300, v4;
	[tilespmem:s28+$0x80] =	vst v17;
	v17 =	vld.idx.msk [tilespmem:v6+s26+$0x0], $0xffff  }
0x73: {  	v22 =	vor.u32 $0x300, v2;
	v15 =	vld.idx.msk [tilespmem:v18+s26+$0x0], $0xffff;
	[tilespmem:s28+$0x1F0] =	vst v5  }
0x74: {  	v14 =	vld.idx.msk [tilespmem:v13+s26+$0x0], $0xffff;
	[tilespmem:s28+$0x90] =	vst v7  }
0x75: {  	s29 =	sadd.s32 $0x1, s24;
	v13 =	vld.idx.msk [tilespmem:v12+s26+$0x0], $0xffff;
	[tilespmem:s28+$0xA0] =	vst v8  }
0x76: {  	p0 =	seq.s32 s29, $0x40;
	v2 =	vor.u32 $0x380, v2;
	v6 =	vor.u32 $0x380, v3;
	v3 =	vor.u32 $0x380, v4;
	[tilespmem:s28+$0xB0] =	vst v19;
	v16 =	vld.idx.msk [tilespmem:v9+s26+$0x0], $0xffff  }
0x77: {  	s30 =	sadd.s32 s6, s24;
	s29 =	simm.s32 @p0 $0x0;
	s2 =	simm.s32 $0xC0;
	v7 =	vor.u32 $0x380, v0;
	v5 =	vor.u32 $0x380, v1;
	v1 =	vor.u32 $0x380, v10;
	v4 =	vld.idx.msk [tilespmem:v21+s26+$0x0], $0xffff;
	[tilespmem:s28+$0xC0] =	vst v20  }
0x78: {  	s31 =	sor.u32 $0x10800, s4;
	s4 =	simm.s32 $0x0;
	s0 =	smov.u32 s28;
	v0 =	vor.u32 $0x380, v11;
	v8 =	vor.u32 $0x300, v10;
	v9 =	vor.u32 $0x300, v11;
	v10 =	vld.idx.msk [tilespmem:v22+s26+$0x0], $0xffff;
	[tilespmem:s28+$0xD0] =	vst v17  }
.LBB2_8:
0x79: {  	v11 =	vld [tilespmem:s2+$0x30];
	s4 =	sadd.s32 $0x8, s4;
	[tilespmem:s28+$0xE0] =	vst v15  }
0x7a: {  	v12 =	vld [tilespmem:s2+$0xFFFFFFD0];
	p0 =	slt.u32 s4, $0x78;
	[tilespmem:s28+$0x100] =	vst v14  }
0x7b: {  	v14 =	vld [tilespmem:s2+$0xFFFFFFE0];
	[tilespmem:s28+$0x110] =	vst v13  }
0x7c: {  	v13 =	vld [tilespmem:s2+$0xFFFFFFF0];
	[tilespmem:s28+$0x120] =	vst v16  }
0x7d: {  	v15 =	vld [tilespmem:s2+$0x0];
	[tilespmem:s28+$0x130] =	vst v4  }
0x7e: {  	v16 =	vld [tilespmem:s2+$0x10];
	v4 =	vshll.u32 v11, $0x3;
	[tilespmem:s28+$0x140] =	vst v10  }
0x7f: {  	v11 =	vand.u32 $0x7F, v11;
	v10 =	vshll.u32 v12, $0x3;
	v17 =	vld [tilespmem:s2+$0x20];
	v4 =	vand.u32 $0xFFFFFC00, v4  }
0x80: {  	v18 =	vld [tilespmem:s2+$0xFFFFFFC0];
	v10 =	vand.u32 $0xFFFFFC00, v10;
	v19 =	vshll.u32 v14, $0x3;
	v4 =	vor.u32 v11, v4  }
0x81: {  	v11 =	vand.u32 $0x7F, v12;
	v12 =	vand.u32 $0xFFFFFC00, v19;
	v19 =	vshll.u32 v13, $0x3;
	v8 =	vld.idx.msk [tilespmem:v8+s26+$0x0], $0xffff  }
0x82: {  	v14 =	vand.u32 $0x7F, v14;
	v19 =	vand.u32 $0xFFFFFC00, v19;
	v20 =	vshll.u32 v15, $0x3;
	v9 =	vld.idx.msk [tilespmem:v9+s26+$0x0], $0xffff  }
0x83: {  	v13 =	vand.u32 $0x7F, v13;
	v20 =	vand.u32 $0xFFFFFC00, v20;
	v21 =	vshll.u32 v16, $0x3;
	v7 =	vld.idx.msk [tilespmem:v7+s26+$0x0], $0xffff  }
0x84: {  	v15 =	vand.u32 $0x7F, v15;
	v21 =	vand.u32 $0xFFFFFC00, v21;
	v22 =	vshll.u32 v17, $0x3;
	v6 =	vld.idx.msk [tilespmem:v6+s26+$0x0], $0xffff  }
0x85: {  	v23 =	vand.u32 $0x7F, v18;
	v18 =	vshll.u32 v18, $0x3;
	v22 =	vand.u32 $0xFFFFFC00, v22;
	v24 =	vld.idx.msk [tilespmem:v4+s26+$0x0], $0xffff  }
0x86: {  	v16 =	vand.u32 $0x7F, v16;
	v17 =	vand.u32 $0x7F, v17;
	v18 =	vand.u32 $0xFFFFFC00, v18;
	v5 =	vld.idx.msk [tilespmem:v5+s26+$0x0], $0xffff  }
0x87: {  	v25 =	vor.u32 v11, v10;
	v10 =	vor.u32 $0x80, v4;
	v23 =	vor.u32 v23, v18;
	v3 =	vld.idx.msk [tilespmem:v3+s26+$0x0], $0xffff;
	[tilespmem:s28+$0x150] =	vst v8  }
0x88: {  	v26 =	vor.u32 v14, v12;
	v27 =	vor.u32 v13, v19;
	v28 =	vor.u32 v15, v20;
	[tilespmem:s28+$0x160] =	vst v9  }
0x89: {  	v21 =	vor.u32 v16, v21;
	v22 =	vor.u32 v17, v22;
	v8 =	vor.u32 $0x80, v23;
	[tilespmem:s28+$0x180] =	vst v7;
	v2 =	vld.idx.msk [tilespmem:v2+s26+$0x0], $0xffff  }
0x8a: {  	v29 =	vor.u32 $0x80, v27;
	v9 =	vor.u32 $0x80, v26;
	v7 =	vor.u32 $0x80, v25;
	s28 =	sadd.s32 $0x400, s28;
	[tilespmem:s0+$0x190] =	vst v6;
	v1 =	vld.idx.msk [tilespmem:v1+s26+$0x0], $0xffff  }
0x8b: {  	v30 =	vor.u32 $0x80, v28;
	v31 =	vor.u32 $0x80, v21;
	v32 =	vor.u32 $0x80, v22;
	[tilespmem:s28+$0xFFFFFE70] =	vst v24;
	v0 =	vld.idx.msk [tilespmem:v0+s26+$0x0], $0xffff  }
0x8c: {  	v33 =	vor.u32 $0x100, v25;
	v34 =	vor.u32 $0x100, v26;
	v24 =	vor.u32 $0x100, v23;
	v6 =	vld.idx.msk [tilespmem:v10+s26+$0x0], $0xffff;
	[tilespmem:s0+$0x1A0] =	vst v5  }
0x8d: {  	v35 =	vor.u32 $0x100, v27;
	v36 =	vor.u32 $0x100, v28;
	v37 =	vor.u32 $0x100, v21;
	v5 =	vld.idx.msk [tilespmem:v23+s26+$0x0], $0xffff;
	[tilespmem:s0+$0x1B0] =	vst v3  }
0x8e: {  	v39 =	vor.u32 $0x100, v22;
	v38 =	vor.u32 $0x180, v23;
	v10 =	vor.u32 $0x100, v4;
	v3 =	vld.idx.msk [tilespmem:v25+s26+$0x0], $0xffff  }
0x8f: {  	v40 =	vor.u32 $0x180, v25;
	v41 =	vor.u32 $0x180, v26;
	v42 =	vor.u32 $0x180, v27;
	v11 =	vld.idx.msk [tilespmem:v26+s26+$0x0], $0xffff;
	[tilespmem:s0+$0x1C0] =	vst v2  }
0x90: {  	v43 =	vor.u32 $0x180, v28;
	v44 =	vor.u32 $0x180, v21;
	v45 =	vor.u32 $0x180, v22;
	v2 =	vld.idx.msk [tilespmem:v27+s26+$0x0], $0xffff;
	[tilespmem:s0+$0x1D0] =	vst v1  }
0x91: {  	v47 =	vor.u32 $0x200, v25;
	v48 =	vor.u32 $0x200, v26;
	v46 =	vor.u32 $0x200, v23;
	v1 =	vld.idx.msk [tilespmem:v28+s26+$0x0], $0xffff;
	[tilespmem:s0+$0x1E0] =	vst v0;
	s0 =	smov.u32 s28  }
0x92: {  	v49 =	vor.u32 $0x200, v27;
	v50 =	vor.u32 $0x200, v28;
	v51 =	vor.u32 $0x200, v21;
	v0 =	vld.idx.msk [tilespmem:v21+s26+$0x0], $0xffff;
	[tilespmem:s28+$0xFFFFFEF0] =	vst v6  }
0x93: {  	v18 =	vor.u32 $0x280, v25;
	v53 =	vor.u32 $0x200, v22;
	v52 =	vor.u32 $0x280, v23;
	[tilespmem:s28+$0xFFFFFE00] =	vst v5;
	v54 =	vld.idx.msk [tilespmem:v10+s26+$0x0], $0xffff  }
0x94: {  	v20 =	vor.u32 $0x280, v26;
	v19 =	vor.u32 $0x280, v27;
	v15 =	vor.u32 $0x280, v28;
	[tilespmem:s28+$0xFFFFFE10] =	vst v3;
	v55 =	vld.idx.msk [tilespmem:v22+s26+$0x0], $0xffff  }
0x95: {  	v57 =	vor.u32 $0x180, v4;
	v17 =	vor.u32 $0x280, v21;
	v16 =	vor.u32 $0x280, v22;
	v56 =	vld.idx.msk [tilespmem:v8+s26+$0x0], $0xffff;
	[tilespmem:s28+$0xFFFFFE20] =	vst v11  }
0x96: {  	v13 =	vor.u32 $0x300, v25;
	v14 =	vor.u32 $0x300, v23;
	v10 =	vor.u32 $0x300, v26;
	v58 =	vld.idx.msk [tilespmem:v7+s26+$0x0], $0xffff;
	[tilespmem:s28+$0xFFFFFE30] =	vst v2  }
0x97: {  	v12 =	vor.u32 $0x300, v27;
	v11 =	vor.u32 $0x300, v28;
	v8 =	vor.u32 $0x300, v21;
	v59 =	vld.idx.msk [tilespmem:v9+s26+$0x0], $0xffff;
	[tilespmem:s28+$0xFFFFFE40] =	vst v1  }
0x98: {  	v6 =	vor.u32 $0x380, v25;
	v7 =	vor.u32 $0x380, v23;
	v9 =	vor.u32 $0x300, v22;
	v23 =	vld.idx.msk [tilespmem:v29+s26+$0x0], $0xffff;
	[tilespmem:s28+$0xFFFFFE50] =	vst v0  }
0x99: {  	v5 =	vor.u32 $0x380, v26;
	v3 =	vor.u32 $0x380, v27;
	v2 =	vor.u32 $0x380, v28;
	v25 =	vld.idx.msk [tilespmem:v30+s26+$0x0], $0xffff;
	[tilespmem:s28+$0xFFFFFF70] =	vst v54  }
0x9a: {  	v1 =	vor.u32 $0x380, v21;
	v0 =	vor.u32 $0x380, v22;
	[tilespmem:s28+$0xFFFFFE60] =	vst v55;
	v21 =	vld.idx.msk [tilespmem:v57+s26+$0x0], $0xffff  }
0x9b: {  	[tilespmem:s28+$0xFFFFFE80] =	vst v56;
	v22 =	vld.idx.msk [tilespmem:v31+s26+$0x0], $0xffff  }
0x9c: {  	v27 =	vor.u32 $0x200, v4;
	[tilespmem:s28+$0xFFFFFE90] =	vst v58;
	v26 =	vld.idx.msk [tilespmem:v32+s26+$0x0], $0xffff  }
0x9d: {  	v24 =	vld.idx.msk [tilespmem:v24+s26+$0x0], $0xffff;
	[tilespmem:s28+$0xFFFFFEA0] =	vst v59  }
0x9e: {  	v28 =	vld.idx.msk [tilespmem:v33+s26+$0x0], $0xffff;
	[tilespmem:s28+$0xFFFFFEB0] =	vst v23  }
0x9f: {  	v23 =	vld.idx.msk [tilespmem:v34+s26+$0x0], $0xffff;
	[tilespmem:s28+$0xFFFFFEC0] =	vst v25  }
0xa0: {  	v25 =	vld.idx.msk [tilespmem:v35+s26+$0x0], $0xffff;
	[tilespmem:s28+$0xFFFFFFF0] =	vst v21  }
0xa1: {  	[tilespmem:s28+$0xFFFFFED0] =	vst v22;
	v21 =	vld.idx.msk [tilespmem:v27+s26+$0x0], $0xffff  }
0xa2: {  	v22 =	vld.idx.msk [tilespmem:v36+s26+$0x0], $0xffff;
	[tilespmem:s28+$0xFFFFFEE0] =	vst v26  }
0xa3: {  	v26 =	vor.u32 $0x280, v4;
	[tilespmem:s28+$0xFFFFFF00] =	vst v24;
	v24 =	vld.idx.msk [tilespmem:v37+s26+$0x0], $0xffff  }
0xa4: {  	[tilespmem:s28+$0xFFFFFF10] =	vst v28;
	v27 =	vld.idx.msk [tilespmem:v39+s26+$0x0], $0xffff  }
0xa5: {  	v28 =	vld.idx.msk [tilespmem:v38+s26+$0x0], $0xffff;
	[tilespmem:s28+$0xFFFFFF20] =	vst v23  }
0xa6: {  	v23 =	vld.idx.msk [tilespmem:v40+s26+$0x0], $0xffff;
	[tilespmem:s28+$0xFFFFFF30] =	vst v25  }
0xa7: {  	v25 =	vld.idx.msk [tilespmem:v41+s26+$0x0], $0xffff;
	[tilespmem:s28+$0x70] =	vst v21  }
0xa8: {  	[tilespmem:s28+$0xFFFFFF40] =	vst v22;
	v21 =	vld.idx.msk [tilespmem:v26+s26+$0x0], $0xffff  }
0xa9: {  	v22 =	vld.idx.msk [tilespmem:v42+s26+$0x0], $0xffff;
	[tilespmem:s28+$0xFFFFFF50] =	vst v24  }
0xaa: {  	v26 =	vor.u32 $0x300, v4;
	v24 =	vld.idx.msk [tilespmem:v43+s26+$0x0], $0xffff;
	[tilespmem:s28+$0xFFFFFF60] =	vst v27  }
0xab: {  	[tilespmem:s28+$0xFFFFFF80] =	vst v28;
	v27 =	vld.idx.msk [tilespmem:v44+s26+$0x0], $0xffff  }
0xac: {  	[tilespmem:s28+$0xFFFFFF90] =	vst v23;
	v23 =	vld.idx.msk [tilespmem:v45+s26+$0x0], $0xffff  }
0xad: {  	v28 =	vld.idx.msk [tilespmem:v46+s26+$0x0], $0xffff;
	[tilespmem:s28+$0xFFFFFFA0] =	vst v25  }
0xae: {  	v25 =	vld.idx.msk [tilespmem:v47+s26+$0x0], $0xffff;
	[tilespmem:s28+$0xF0] =	vst v21  }
0xaf: {  	[tilespmem:s28+$0xFFFFFFB0] =	vst v22;
	v21 =	vld.idx.msk [tilespmem:v26+s26+$0x0], $0xffff  }
0xb0: {  	v22 =	vld.idx.msk [tilespmem:v48+s26+$0x0], $0xffff;
	[tilespmem:s28+$0xFFFFFFC0] =	vst v24  }
0xb1: {  	v4 =	vor.u32 $0x380, v4;
	v24 =	vld.idx.msk [tilespmem:v49+s26+$0x0], $0xffff;
	[tilespmem:s28+$0xFFFFFFD0] =	vst v27  }
0xb2: {  	v26 =	vld.idx.msk [tilespmem:v50+s26+$0x0], $0xffff;
	[tilespmem:s28+$0xFFFFFFE0] =	vst v23  }
0xb3: {  	[tilespmem:s28+$0x0] =	vst v28;
	v23 =	vld.idx.msk [tilespmem:v51+s26+$0x0], $0xffff  }
0xb4: {  	[tilespmem:s28+$0x10] =	vst v25;
	v25 =	vld.idx.msk [tilespmem:v53+s26+$0x0], $0xffff  }
0xb5: {  	v27 =	vld.idx.msk [tilespmem:v52+s26+$0x0], $0xffff;
	[tilespmem:s28+$0x170] =	vst v21  }
0xb6: {  	[tilespmem:s28+$0x20] =	vst v22;
	v4 =	vld.idx.msk [tilespmem:v4+s26+$0x0], $0xffff  }
0xb7: {  	v18 =	vld.idx.msk [tilespmem:v18+s26+$0x0], $0xffff;
	[tilespmem:s28+$0x30] =	vst v24  }
0xb8: {  	v20 =	vld.idx.msk [tilespmem:v20+s26+$0x0], $0xffff;
	[tilespmem:s28+$0x40] =	vst v26  }
0xb9: {  	v19 =	vld.idx.msk [tilespmem:v19+s26+$0x0], $0xffff;
	[tilespmem:s28+$0x50] =	vst v23  }
0xba: {  	v21 =	vld.idx.msk [tilespmem:v15+s26+$0x0], $0xffff;
	[tilespmem:s28+$0x60] =	vst v25  }
0xbb: {  	[tilespmem:s28+$0x80] =	vst v27;
	v17 =	vld.idx.msk [tilespmem:v17+s26+$0x0], $0xffff  }
0xbc: {  	v15 =	vld.idx.msk [tilespmem:v16+s26+$0x0], $0xffff;
	[tilespmem:s28+$0x1F0] =	vst v4  }
.Ltmp3:
0xbd: {  	v14 =	vld.idx.msk [tilespmem:v14+s26+$0x0], $0xffff;
	[tilespmem:s28+$0x90] =	vst v18;
	(pc) =	sbr.rel @p0 .LBB2_8-.Ltmp3, $4  }
0xbe: {  	v13 =	vld.idx.msk [tilespmem:v13+s26+$0x0], $0xffff;
	[tilespmem:s28+$0xA0] =	vst v20  }
0xbf: {  	v16 =	vld.idx.msk [tilespmem:v10+s26+$0x0], $0xffff;
	[tilespmem:s28+$0xB0] =	vst v19  }
0xc0: {  	v4 =	vld.idx.msk [tilespmem:v12+s26+$0x0], $0xffff;
	[tilespmem:s28+$0xC0] =	vst v21  }
0xc1: {  	s2 =	sadd.s32 $0x80, s2;
	v10 =	vld.idx.msk [tilespmem:v11+s26+$0x0], $0xffff;
	[tilespmem:s28+$0xD0] =	vst v17  }
0xc2: {  	_ =	sdelay $0x2  }
0xc3: {  	[tilespmem:s28+$0xE0] =	vst v15  }
0xc4: {  	[tilespmem:s28+$0x100] =	vst v14;
	v8 =	vld.idx.msk [tilespmem:v8+s26+$0x0], $0xffff  }
0xc5: {  	[tilespmem:s28+$0x110] =	vst v13;
	v9 =	vld.idx.msk [tilespmem:v9+s26+$0x0], $0xffff  }
0xc6: {  	v7 =	vld.idx.msk [tilespmem:v7+s26+$0x0], $0xffff;
	[tilespmem:s28+$0x120] =	vst v16  }
0xc7: {  	v63 =	vld.idx.msk [tilespmem:v6+s26+$0x0], $0xffff;
	[tilespmem:s28+$0x130] =	vst v4  }
0xc8: {  	v5 =	vld.idx.msk [tilespmem:v5+s26+$0x0], $0xffff;
	[tilespmem:s28+$0x140] =	vst v10  }
0xc9: {  	v3 =	vld.idx.msk [tilespmem:v3+s26+$0x0], $0xffff;
	[tilespmem:s28+$0x150] =	vst v8  }
0xca: {  	v2 =	vld.idx.msk [tilespmem:v2+s26+$0x0], $0xffff;
	[tilespmem:s28+$0x160] =	vst v9  }
0xcb: {  	[tilespmem:s28+$0x180] =	vst v7;
	v1 =	vld.idx.msk [tilespmem:v1+s26+$0x0], $0xffff  }
0xcc: {  	[tilespmem:s0+$0x190] =	vst v63;
	v0 =	vld.idx.msk [tilespmem:v0+s26+$0x0], $0xffff  }
0xcd: {  	[tilespmem:s0+$0x1A0] =	vst v5  }
0xce: {  	[tilespmem:s0+$0x1B0] =	vst v3  }
0xcf: {  	p0 =	seq.s32 s22, $0x3F;
	p1 =	sne.s32 s24, s29;
	[tilespmem:s0+$0x1C0] =	vst v2  }
0xd0: {  	p1 =	por p0, p1;
	[tilespmem:s0+$0x1D0] =	vst v1  }
0xd1: {  	p0 =	seq.s32 s22, $0x0;
	[tilespmem:s0+$0x1E0] =	vst v0;
	s0 =	sshll.u32 @p1 s30, $0xB  }
0xd2: {  	s2 =	sor.u32 @p1 $0x6, s25;
	_ =	strace $0x9000004C;
	s0 =	sand.u32 @p1 $0x1FFFF800, s0  }
0xd3: {  	s4 =	simm.s32 @p1 $0x0;
	_ =	strace @p1 $0x8000004D;
	s0 =	sadd.s32 @p1 s3, s0  }
0xd4: {  	[hbm4b:s0+s4] =	stream.linear.scatter @p1 [tilespmem:s31], [sflag:s2], $0x4000, $0x200038;
	[tilespmem:$0x18800] =	vst v63  }
0xd5: {  	s0 =	simm.s32 $0x1;
	s4 =	simm.s32 $0x1;
	_ =	strace @p1 $0x9000004D  }
0xd6: {  	s0 =	simm.s32 @!p1 $0x0;
	p1 =	sne.s32 s22, $0x0;
	s22 =	sadd.s32 $0x1, s22  }
0xd7: {  	s2 =	sand.u32 @!p0 $0x1, s19;
	s4 =	simm.s32 @!p1 $0x0;
	p1 =	sne.s32 s22, $0x40  }
.Ltmp4:
0xd8: {  	s2 =	sor.u32 @!p0 $0x6, s2;
	_ =	strace @!p0 $0x8000004E;
	(pc) =	sbr.rel @p1 .LBB2_2-.Ltmp4, $4  }
0xd9: {  	_ =	swait.ge @!p0 [sflag:s2], $0x4000  }
0xda: {  	[sflag:s2] =	ssyncset.done @!p0 $0x0  }
0xdb: {  	s24 =	smov.u32 s29;
	s20 =	sadd.s32 s0, s20;
	[sflag:s2] =	ssyncadd.s32 @!p0 $0xFFFFC000  }
0xdc: {  	s21 =	sadd.s32 s0, s21;
	s19 =	sadd.s32 s4, s19;
	_ =	strace @!p0 $0x9000004E  }
0xdd: {  	s17 =	sadd.s32 $0x1, s17  }
0xde: {  	p0 =	sne.s32 s17, s8  }
.Ltmp5:
0xdf: {  	_ =	strace $0x8000004F;
	(pc) =	sbr.rel @p0 .LBB2_1-.Ltmp5, $4  }
0xe0: {  	_ =	swait.ge [sflag:s16], $0x4000  }
0xe1: {  	[sflag:s16] =	ssyncset.done $0x0  }
0xe2: {  	[sflag:s16] =	ssyncadd.s32 $0xFFFFC000  }
0xe3: {  	_ =	strace $0x9000004F  }
0xe4: {  	_ =	sfence.sel $0x180000  }
0xe5: {  	[bflag:$0x0] =	sbarrier.arrive $0xFFFF  }
0xe6: {  	_ =	strace $0x90000047  }
0xe7: {  	s0 =	stileid.u32;
	[bflag:$0x2] =	sbarrier.arrive $0xFFFF  }
0xe8: {  	p0 =	sne.s32 s0, $0x0;
	s0 =	rddreg [dreg:$0x3]  }
0xe9: {  	s0 =	sadd.s32 @!p0 $0x100000, s0  }
0xea: {  	[sflag:s0] =	ssyncadd.tile.s32 @!p0 $0x1;
	_ =	shalt  }
.Lfunc_end2:
_tile_overlayer_lowered:
.L_overlay_start_2:
0xeb: {  	(tag) =	ssettag $0x2  }
0xec: {  	s0 =	rddreg [dreg:$0x0];
	s2 =	stileid.u32  }
0xed: {  	s1 =	rddreg [dreg:$0x1];
	p0 =	sne.s32 s2, $0x0  }
0xee: {  	s3 =	rddreg [dreg:$0x2];
	[bflag:$0x3] =	sbarrier.arrive $0xFFFF;
	s2 =	simm.s32 @!p0 $0x1C02  }
0xef: {  	[timem:s3], [sflag:s2] =	dma.local @!p0 [hbm:s0], s1  }
0xf0: {  	s0 =	simm.s32 @!p0 $0x2  }
0xf1: {  	_ =	swait.ge @!p0 [sflag:s0], s1  }
0xf2: {  	s1 =	ssub.s32 @!p0 $0x0, s1;
	[sflag:s0] =	ssyncset.done @!p0 $0x0  }
0xf3: {  	[sflag:s0] =	ssyncadd.s32 @!p0 s1  }
0xf4: {  	[bflag:$0x3] =	sbarrier.arrive $0xFFFF  }
0xf5: {  	_ =	shalt  }

</sc_bundles>
